<compile_context>
chip_gen: v7x
topology: tpu7x:2x2x1
jax: 0.10.2.dev20260603
libtpu: 0.0.44.dev20260713+nightly
codegen_flags: <defaults>
</compile_context>

<pallas_src>
import functools

import jax
import jax.numpy as jnp
from jax import lax
from jax.experimental import pallas as pl
from jax.experimental.pallas import tpu as pltpu
from jax.experimental.pallas import tpu_sc as plsc

_INFO = plsc.get_sparse_core_info()
_NC, _NS, _L = _INFO.num_cores, _INFO.num_subcores, _INFO.num_lanes

_B = 512
_NBUF = 2


@functools.partial(jax.jit, static_argnums=(2, 3, 4))
def _col2octree_sc(data_t, octree_t, C, K, H):
    n_chunks = H // _B

    mesh = plsc.VectorSubcoreMesh(core_axis_name="c", subcore_axis_name="s")

    @functools.partial(
        pl.kernel,
        mesh=mesh,
        out_type=jax.ShapeDtypeStruct((C, H), jnp.float32),
        compiler_params=pltpu.CompilerParams(needs_layout_passes=False),
        scratch_types=[
            pltpu.VMEM((H,), jnp.float32),
            pltpu.VMEM((K, _B), jnp.int32),
            pltpu.VMEM((K, _B), jnp.int32),
            pltpu.VMEM((K, _B), jnp.float32),
            pltpu.VMEM((K, _B), jnp.float32),
            pltpu.SemaphoreType.DMA,
            pltpu.SemaphoreType.DMA,
            pltpu.SemaphoreType.DMA,
            pltpu.SemaphoreType.DMA,
        ],
    )
    def k(data_hbm, idx_hbm, out_hbm, accum, idxb0, idxb1, datab0, datab1,
          si0, si1, sd0, sd1):
        ch = lax.axis_index("s") * _NC + lax.axis_index("c")
        idxbs = (idxb0, idxb1)
        databs = (datab0, datab1)
        sems_i = (si0, si1)
        sems_d = (sd0, sd1)

        def start(g, b):
            pltpu.async_copy(
                idx_hbm.at[:, pl.ds(g * _B, _B)], idxbs[b], sems_i[b]
            )
            pltpu.async_copy(
                data_hbm.at[:, ch, pl.ds(g * _B, _B)], databs[b], sems_d[b]
            )

        def wait(g, b):
            pltpu.make_async_copy(
                idx_hbm.at[:, pl.ds(g * _B, _B)], idxbs[b], sems_i[b]
            ).wait()
            pltpu.make_async_copy(
                data_hbm.at[:, ch, pl.ds(g * _B, _B)], databs[b], sems_d[b]
            ).wait()

        start(0, 0)
        start(1, 1)

        zeros = jnp.zeros((_L,), jnp.float32)

        def zbody(i, carry):
            accum[pl.ds(i * _L, _L)] = zeros
            return carry

        lax.fori_loop(0, H // _L, zbody, 0)

        def outer(gg, carry):
            for b in range(_NBUF):
                g = gg * _NBUF + b
                wait(g, b)
                idxb = idxbs[b]
                datab = databs[b]

                def ibody(i, icarry):
                    sl = pl.ds(i * _L, _L)
                    for kb in range(0, K, 9):
                        kks = range(kb, min(kb + 9, K))
                        vis = [idxb[kk, sl] for kk in kks]
                        vds = [datab[kk, sl] for kk in kks]
                        for vi, vd in zip(vis, vds):
                            plsc.addupdate_scatter(accum, [vi], vd)
                    return icarry

                lax.fori_loop(0, _B // _L, ibody, 0)

                @pl.when(g + _NBUF < n_chunks)
                def _():
                    start(g + _NBUF, b)

            return carry

        lax.fori_loop(0, n_chunks // _NBUF, outer, 0)
        pltpu.sync_copy(accum, out_hbm.at[ch])

    return k(data_t, octree_t)


def kernel(data_in, octree):
    C, K, H = data_in.shape
    data_t = jnp.transpose(data_in, (1, 0, 2))
    octree_t = octree.T
    return _col2octree_sc(data_t, octree_t, C, K, H)

# --- scband reference (transcript-rebuilt; emitter-appended) ---
"""Pipeline reference for scband-col2-octree-29265907155619 (READ-ONLY COPY).

The authoritative reference and input builder live on the scoring server;
editing this copy changes nothing except your own understanding.
"""

import jax, jax.numpy as jnp
import numpy as np

C, K, H = 32, 27, 65536

def setup_inputs(seed: int = 0) -> dict:
    key = jax.random.key(seed)
    k1, k2 = jax.random.split(key)
    data_in = jax.random.normal(k1, (C, K, H), dtype=jnp.float32)
    # Neighbor table of the octree at `depth`: for each node h and kernel
    # offset k, octree[h, k] is the destination node index (-1 == no neighbor).
    octree = jax.random.randint(k2, (H, K), 0, H, dtype=jnp.int32)
    return {"data_in": data_in, "octree": octree}

def reference(data_in, octree):
    # col2octree: inverse of octree2col (im2col for octrees).
    # For each column h and kernel slot k, scatter-ADD data_in[:, k, h]
    # into the octree node feature at index octree[h, k].
    C_, K_, H_ = data_in.shape
    neigh_t = octree.T                      # [K, H]
    idx = neigh_t.reshape(-1)               # [K*H]
    valid = idx >= 0
    safe_idx = jnp.where(valid, idx, 0)
    vals = data_in.reshape(C_, K_ * H_) * valid.astype(data_in.dtype)[None, :]
    out = jnp.zeros((C_, H_), dtype=data_in.dtype).at[:, safe_idx].add(vals)
    return out

if __name__ == "__main__":
    import jax
    _d = setup_inputs()
    print(jax.jit(kernel)(*tuple(_d.values())))

</pallas_src>

<mosaic_0001>
#map = affine_map<(d0, d1) -> (0, 0, 0)>
#map1 = affine_map<(d0, d1) -> (0, 0)>
module attributes {stable_mosaic.version = 14 : i64} {
  func.func @k(%arg0: i32, %arg1: i32, %arg2: memref<27x32x65536xf32, #tpu.memory_space<hbm>>, %arg3: memref<27x65536xi32, #tpu.memory_space<hbm>>, %arg4: memref<32x65536xf32, #tpu.memory_space<hbm>>, %arg5: memref<65536xf32, #tpu.memory_space<vmem>>, %arg6: memref<27x512xi32, #tpu.memory_space<vmem>>, %arg7: memref<27x512xi32, #tpu.memory_space<vmem>>, %arg8: memref<27x512xf32, #tpu.memory_space<vmem>>, %arg9: memref<27x512xf32, #tpu.memory_space<vmem>>, %arg10: memref<!tpu.dma_semaphore, #tpu.memory_space<semaphore_mem>>, %arg11: memref<!tpu.dma_semaphore, #tpu.memory_space<semaphore_mem>>, %arg12: memref<!tpu.dma_semaphore, #tpu.memory_space<semaphore_mem>>, %arg13: memref<!tpu.dma_semaphore, #tpu.memory_space<semaphore_mem>>) attributes {dimension_semantics = [#tpu.dimension_semantics<core_parallel>, #tpu.dimension_semantics<subcore_parallel>], iteration_bounds = array<i64: 2, 16>, scalar_prefetch = 0 : i64, scratch_operands = 9 : i64, tpu.core_type = #tpu.core_type<sc_vector_subcore>, window_params = [{transform_indices = #map}, {transform_indices = #map1}, {transform_indices = #map1}]} {
    %mul3A = arith.constant 2 : i32
    %mul3A_0 = arith.muli %arg1, %mul3A : i32
    %add3A = arith.addi %mul3A_0, %arg0 : i32
    %dma_start3A = arith.constant 0 : i32
    %dma_start3A_1 = arith.constant 0 : i32
    %dma_start3A_2 = tpu.memref_slice %arg3[%dma_start3A, %dma_start3A_1] : memref<27x65536xi32, #tpu.memory_space<hbm>> -> memref<27x512xi32, #tpu.memory_space<hbm>>
    %dma_start3A_3 = arith.constant 0 : i32
    %dma_start3A_4 = arith.constant 0 : i32
    %dma_start3A_5 = tpu.memref_slice %arg3[%dma_start3A_3, %dma_start3A_4] : memref<27x65536xi32, #tpu.memory_space<hbm>> -> memref<27x512xi32, #tpu.memory_space<hbm>>
    tpu.enqueue_dma source(%dma_start3A_5 : memref<27x512xi32, #tpu.memory_space<hbm>>) target(%arg6 : memref<27x512xi32, #tpu.memory_space<vmem>>) target_semaphore(%arg10 : memref<!tpu.dma_semaphore, #tpu.memory_space<semaphore_mem>>)
    %dma_start3A_6 = arith.constant 0 : i32
    %dma_start3A_7 = arith.constant 0 : i32
    %dma_start3A_8 = tpu.memref_slice %arg2[%dma_start3A_6, %add3A, %dma_start3A_7] : memref<27x32x65536xf32, #tpu.memory_space<hbm>> -> memref<27x1x512xf32, #tpu.memory_space<hbm>>
    %dma_start3A_9 = tpu.memref_squeeze %dma_start3A_8 : memref<27x1x512xf32, #tpu.memory_space<hbm>> -> memref<27x512xf32, #tpu.memory_space<hbm>>
    %dma_start3A_10 = arith.constant 0 : i32
    %dma_start3A_11 = arith.constant 0 : i32
    %dma_start3A_12 = tpu.memref_slice %arg2[%dma_start3A_10, %add3A, %dma_start3A_11] : memref<27x32x65536xf32, #tpu.memory_space<hbm>> -> memref<27x1x512xf32, #tpu.memory_space<hbm>>
    %dma_start3A_13 = tpu.memref_squeeze %dma_start3A_12 : memref<27x1x512xf32, #tpu.memory_space<hbm>> -> memref<27x512xf32, #tpu.memory_space<hbm>>
    tpu.enqueue_dma source(%dma_start3A_13 : memref<27x512xf32, #tpu.memory_space<hbm>>) target(%arg8 : memref<27x512xf32, #tpu.memory_space<vmem>>) target_semaphore(%arg12 : memref<!tpu.dma_semaphore, #tpu.memory_space<semaphore_mem>>)
    %dma_start3A_14 = arith.constant 0 : i32
    %dma_start3A_15 = arith.constant 512 : i32
    %dma_start3A_16 = tpu.memref_slice %arg3[%dma_start3A_14, %dma_start3A_15] : memref<27x65536xi32, #tpu.memory_space<hbm>> -> memref<27x512xi32, #tpu.memory_space<hbm>>
    %dma_start3A_17 = arith.constant 0 : i32
    %dma_start3A_18 = arith.constant 512 : i32
    %dma_start3A_19 = tpu.memref_slice %arg3[%dma_start3A_17, %dma_start3A_18] : memref<27x65536xi32, #tpu.memory_space<hbm>> -> memref<27x512xi32, #tpu.memory_space<hbm>>
    tpu.enqueue_dma source(%dma_start3A_19 : memref<27x512xi32, #tpu.memory_space<hbm>>) target(%arg7 : memref<27x512xi32, #tpu.memory_space<vmem>>) target_semaphore(%arg11 : memref<!tpu.dma_semaphore, #tpu.memory_space<semaphore_mem>>)
    %dma_start3A_20 = arith.constant 0 : i32
    %dma_start3A_21 = arith.constant 512 : i32
    %dma_start3A_22 = tpu.memref_slice %arg2[%dma_start3A_20, %add3A, %dma_start3A_21] : memref<27x32x65536xf32, #tpu.memory_space<hbm>> -> memref<27x1x512xf32, #tpu.memory_space<hbm>>
    %dma_start3A_23 = tpu.memref_squeeze %dma_start3A_22 : memref<27x1x512xf32, #tpu.memory_space<hbm>> -> memref<27x512xf32, #tpu.memory_space<hbm>>
    %dma_start3A_24 = arith.constant 0 : i32
    %dma_start3A_25 = arith.constant 512 : i32
    %dma_start3A_26 = tpu.memref_slice %arg2[%dma_start3A_24, %add3A, %dma_start3A_25] : memref<27x32x65536xf32, #tpu.memory_space<hbm>> -> memref<27x1x512xf32, #tpu.memory_space<hbm>>
    %dma_start3A_27 = tpu.memref_squeeze %dma_start3A_26 : memref<27x1x512xf32, #tpu.memory_space<hbm>> -> memref<27x512xf32, #tpu.memory_space<hbm>>
    tpu.enqueue_dma source(%dma_start3A_27 : memref<27x512xf32, #tpu.memory_space<hbm>>) target(%arg9 : memref<27x512xf32, #tpu.memory_space<vmem>>) target_semaphore(%arg13 : memref<!tpu.dma_semaphore, #tpu.memory_space<semaphore_mem>>)
    %broadcast_in_dim3A = arith.constant 0.000000e+00 : f32
    %broadcast_in_dim3A_28 = vector.broadcast %broadcast_in_dim3A : f32 to vector<16xf32>
    %scan3A = arith.constant 0 : i32
    %scan3A_29 = arith.constant 0 : i32
    %scan3A_30 = arith.constant 4096 : i32
    %scan3A_31 = arith.addi %scan3A_29, %scan3A_30 : i32
    %scan3A_32 = arith.constant 1 : i32
    scf.for %scan3A_40 = %scan3A_29 to %scan3A_31 step %scan3A_32  : i32 {
      %mul3A_41 = arith.constant 16 : i32
      %mul3A_42 = arith.muli %scan3A_40, %mul3A_41 : i32
      %swap3A = arith.index_cast %mul3A_42 : i32 to index
      %swap3A_43 = tpu.vector_load %arg5[%swap3A] {strides = array<i32>} : memref<65536xf32, #tpu.memory_space<vmem>>, vector<16xf32>,
      tpu.vector_store %arg5[%swap3A], %broadcast_in_dim3A_28 {strides = array<i32>} : memref<65536xf32, #tpu.memory_space<vmem>>, vector<16xf32>,
    }
    %scan3A_33 = arith.constant 4096 : i32
    %scan3A_34 = arith.constant 0 : i32
    %scan3A_35 = arith.constant 0 : i32
    %scan3A_36 = arith.constant 64 : i32
    %scan3A_37 = arith.addi %scan3A_35, %scan3A_36 : i32
    %scan3A_38 = arith.constant 1 : i32
    scf.for %scan3A_40 = %scan3A_35 to %scan3A_37 step %scan3A_38  : i32 {
      %mul3A_41 = arith.constant 2 : i32
      %mul3A_42 = arith.muli %scan3A_40, %mul3A_41 : i32
      %add3A_43 = arith.constant 0 : i32
      %add3A_44 = arith.addi %mul3A_42, %add3A_43 : i32
      %mul3A_45 = arith.constant 512 : i32
      %mul3A_46 = arith.muli %add3A_44, %mul3A_45 : i32
      %dma_wait3A = arith.constant 0 : i32
      %dma_wait3A_47 = tpu.memref_slice %arg3[%dma_wait3A, %mul3A_46] : memref<27x65536xi32, #tpu.memory_space<hbm>> -> memref<27x512xi32, #tpu.memory_space<hbm>>
      %dma_wait3A_48 = arith.constant 0 : i32
      %dma_wait3A_49 = tpu.memref_slice %arg3[%dma_wait3A_48, %mul3A_46] : memref<27x65536xi32, #tpu.memory_space<hbm>> -> memref<27x512xi32, #tpu.memory_space<hbm>>
      tpu.wait_dma2 semaphore(%arg10 : memref<!tpu.dma_semaphore, #tpu.memory_space<semaphore_mem>>) src(%dma_wait3A_49 : memref<27x512xi32, #tpu.memory_space<hbm>>) dst(%arg6 : memref<27x512xi32, #tpu.memory_space<vmem>>)
      %mul3A_50 = arith.constant 512 : i32
      %mul3A_51 = arith.muli %add3A_44, %mul3A_50 : i32
      %dma_wait3A_52 = arith.constant 0 : i32
      %dma_wait3A_53 = tpu.memref_slice %arg2[%dma_wait3A_52, %add3A, %mul3A_51] : memref<27x32x65536xf32, #tpu.memory_space<hbm>> -> memref<27x1x512xf32, #tpu.memory_space<hbm>>
      %dma_wait3A_54 = tpu.memref_squeeze %dma_wait3A_53 : memref<27x1x512xf32, #tpu.memory_space<hbm>> -> memref<27x512xf32, #tpu.memory_space<hbm>>
      %dma_wait3A_55 = arith.constant 0 : i32
      %dma_wait3A_56 = tpu.memref_slice %arg2[%dma_wait3A_55, %add3A, %mul3A_51] : memref<27x32x65536xf32, #tpu.memory_space<hbm>> -> memref<27x1x512xf32, #tpu.memory_space<hbm>>
      %dma_wait3A_57 = tpu.memref_squeeze %dma_wait3A_56 : memref<27x1x512xf32, #tpu.memory_space<hbm>> -> memref<27x512xf32, #tpu.memory_space<hbm>>
      tpu.wait_dma2 semaphore(%arg12 : memref<!tpu.dma_semaphore, #tpu.memory_space<semaphore_mem>>) src(%dma_wait3A_57 : memref<27x512xf32, #tpu.memory_space<hbm>>) dst(%arg8 : memref<27x512xf32, #tpu.memory_space<vmem>>)
      %scan3A_58 = arith.constant 0 : i32
      %scan3A_59 = arith.constant 0 : i32
      %scan3A_60 = arith.constant 32 : i32
      %scan3A_61 = arith.addi %scan3A_59, %scan3A_60 : i32
      %scan3A_62 = arith.constant 1 : i32
      scf.for %scan3A_99 = %scan3A_59 to %scan3A_61 step %scan3A_62  : i32 {
        %mul3A_100 = arith.constant 16 : i32
        %mul3A_101 = arith.muli %scan3A_99, %mul3A_100 : i32
        %get3A = arith.constant 0 : i32
        %get3A_102 = arith.index_cast %get3A : i32 to index
        %get3A_103 = arith.index_cast %mul3A_101 : i32 to index
        %get3A_104 = tpu.vector_load %arg6[%get3A_102, %get3A_103] {strides = array<i32>} : memref<27x512xi32, #tpu.memory_space<vmem>>, vector<16xi32>,
        %get3A_105 = arith.constant 1 : i32
        %get3A_106 = arith.index_cast %get3A_105 : i32 to index
        %get3A_107 = arith.index_cast %mul3A_101 : i32 to index
        %get3A_108 = tpu.vector_load %arg6[%get3A_106, %get3A_107] {strides = array<i32>} : memref<27x512xi32, #tpu.memory_space<vmem>>, vector<16xi32>,
        %get3A_109 = arith.constant 2 : i32
        %get3A_110 = arith.index_cast %get3A_109 : i32 to index
        %get3A_111 = arith.index_cast %mul3A_101 : i32 to index
        %get3A_112 = tpu.vector_load %arg6[%get3A_110, %get3A_111] {strides = array<i32>} : memref<27x512xi32, #tpu.memory_space<vmem>>, vector<16xi32>,
        %get3A_113 = arith.constant 3 : i32
        %get3A_114 = arith.index_cast %get3A_113 : i32 to index
        %get3A_115 = arith.index_cast %mul3A_101 : i32 to index
        %get3A_116 = tpu.vector_load %arg6[%get3A_114, %get3A_115] {strides = array<i32>} : memref<27x512xi32, #tpu.memory_space<vmem>>, vector<16xi32>,
        %get3A_117 = arith.constant 4 : i32
        %get3A_118 = arith.index_cast %get3A_117 : i32 to index
        %get3A_119 = arith.index_cast %mul3A_101 : i32 to index
        %get3A_120 = tpu.vector_load %arg6[%get3A_118, %get3A_119] {strides = array<i32>} : memref<27x512xi32, #tpu.memory_space<vmem>>, vector<16xi32>,
        %get3A_121 = arith.constant 5 : i32
        %get3A_122 = arith.index_cast %get3A_121 : i32 to index
        %get3A_123 = arith.index_cast %mul3A_101 : i32 to index
        %get3A_124 = tpu.vector_load %arg6[%get3A_122, %get3A_123] {strides = array<i32>} : memref<27x512xi32, #tpu.memory_space<vmem>>, vector<16xi32>,
        %get3A_125 = arith.constant 6 : i32
        %get3A_126 = arith.index_cast %get3A_125 : i32 to index
        %get3A_127 = arith.index_cast %mul3A_101 : i32 to index
        %get3A_128 = tpu.vector_load %arg6[%get3A_126, %get3A_127] {strides = array<i32>} : memref<27x512xi32, #tpu.memory_space<vmem>>, vector<16xi32>,
        %get3A_129 = arith.constant 7 : i32
        %get3A_130 = arith.index_cast %get3A_129 : i32 to index
        %get3A_131 = arith.index_cast %mul3A_101 : i32 to index
        %get3A_132 = tpu.vector_load %arg6[%get3A_130, %get3A_131] {strides = array<i32>} : memref<27x512xi32, #tpu.memory_space<vmem>>, vector<16xi32>,
        %get3A_133 = arith.constant 8 : i32
        %get3A_134 = arith.index_cast %get3A_133 : i32 to index
        %get3A_135 = arith.index_cast %mul3A_101 : i32 to index
        %get3A_136 = tpu.vector_load %arg6[%get3A_134, %get3A_135] {strides = array<i32>} : memref<27x512xi32, #tpu.memory_space<vmem>>, vector<16xi32>,
        %get3A_137 = arith.constant 0 : i32
        %get3A_138 = arith.index_cast %get3A_137 : i32 to index
        %get3A_139 = arith.index_cast %mul3A_101 : i32 to index
        %get3A_140 = tpu.vector_load %arg8[%get3A_138, %get3A_139] {strides = array<i32>} : memref<27x512xf32, #tpu.memory_space<vmem>>, vector<16xf32>,
        %get3A_141 = arith.constant 1 : i32
        %get3A_142 = arith.index_cast %get3A_141 : i32 to index
        %get3A_143 = arith.index_cast %mul3A_101 : i32 to index
        %get3A_144 = tpu.vector_load %arg8[%get3A_142, %get3A_143] {strides = array<i32>} : memref<27x512xf32, #tpu.memory_space<vmem>>, vector<16xf32>,
        %get3A_145 = arith.constant 2 : i32
        %get3A_146 = arith.index_cast %get3A_145 : i32 to index
        %get3A_147 = arith.index_cast %mul3A_101 : i32 to index
        %get3A_148 = tpu.vector_load %arg8[%get3A_146, %get3A_147] {strides = array<i32>} : memref<27x512xf32, #tpu.memory_space<vmem>>, vector<16xf32>,
        %get3A_149 = arith.constant 3 : i32
        %get3A_150 = arith.index_cast %get3A_149 : i32 to index
        %get3A_151 = arith.index_cast %mul3A_101 : i32 to index
        %get3A_152 = tpu.vector_load %arg8[%get3A_150, %get3A_151] {strides = array<i32>} : memref<27x512xf32, #tpu.memory_space<vmem>>, vector<16xf32>,
        %get3A_153 = arith.constant 4 : i32
        %get3A_154 = arith.index_cast %get3A_153 : i32 to index
        %get3A_155 = arith.index_cast %mul3A_101 : i32 to index
        %get3A_156 = tpu.vector_load %arg8[%get3A_154, %get3A_155] {strides = array<i32>} : memref<27x512xf32, #tpu.memory_space<vmem>>, vector<16xf32>,
        %get3A_157 = arith.constant 5 : i32
        %get3A_158 = arith.index_cast %get3A_157 : i32 to index
        %get3A_159 = arith.index_cast %mul3A_101 : i32 to index
        %get3A_160 = tpu.vector_load %arg8[%get3A_158, %get3A_159] {strides = array<i32>} : memref<27x512xf32, #tpu.memory_space<vmem>>, vector<16xf32>,
        %get3A_161 = arith.constant 6 : i32
        %get3A_162 = arith.index_cast %get3A_161 : i32 to index
        %get3A_163 = arith.index_cast %mul3A_101 : i32 to index
        %get3A_164 = tpu.vector_load %arg8[%get3A_162, %get3A_163] {strides = array<i32>} : memref<27x512xf32, #tpu.memory_space<vmem>>, vector<16xf32>,
        %get3A_165 = arith.constant 7 : i32
        %get3A_166 = arith.index_cast %get3A_165 : i32 to index
        %get3A_167 = arith.index_cast %mul3A_101 : i32 to index
        %get3A_168 = tpu.vector_load %arg8[%get3A_166, %get3A_167] {strides = array<i32>} : memref<27x512xf32, #tpu.memory_space<vmem>>, vector<16xf32>,
        %get3A_169 = arith.constant 8 : i32
        %get3A_170 = arith.index_cast %get3A_169 : i32 to index
        %get3A_171 = arith.index_cast %mul3A_101 : i32 to index
        %get3A_172 = tpu.vector_load %arg8[%get3A_170, %get3A_171] {strides = array<i32>} : memref<27x512xf32, #tpu.memory_space<vmem>>, vector<16xf32>,
        tpu.vector_store_idx %arg5[%get3A_104], %get3A_140 {add = true} : memref<65536xf32, #tpu.memory_space<vmem>>[vector<16xi32>], vector<16xf32>,
        tpu.vector_store_idx %arg5[%get3A_108], %get3A_144 {add = true} : memref<65536xf32, #tpu.memory_space<vmem>>[vector<16xi32>], vector<16xf32>,
        tpu.vector_store_idx %arg5[%get3A_112], %get3A_148 {add = true} : memref<65536xf32, #tpu.memory_space<vmem>>[vector<16xi32>], vector<16xf32>,
        tpu.vector_store_idx %arg5[%get3A_116], %get3A_152 {add = true} : memref<65536xf32, #tpu.memory_space<vmem>>[vector<16xi32>], vector<16xf32>,
        tpu.vector_store_idx %arg5[%get3A_120], %get3A_156 {add = true} : memref<65536xf32, #tpu.memory_space<vmem>>[vector<16xi32>], vector<16xf32>,
        tpu.vector_store_idx %arg5[%get3A_124], %get3A_160 {add = true} : memref<65536xf32, #tpu.memory_space<vmem>>[vector<16xi32>], vector<16xf32>,
        tpu.vector_store_idx %arg5[%get3A_128], %get3A_164 {add = true} : memref<65536xf32, #tpu.memory_space<vmem>>[vector<16xi32>], vector<16xf32>,
        tpu.vector_store_idx %arg5[%get3A_132], %get3A_168 {add = true} : memref<65536xf32, #tpu.memory_space<vmem>>[vector<16xi32>], vector<16xf32>,
        tpu.vector_store_idx %arg5[%get3A_136], %get3A_172 {add = true} : memref<65536xf32, #tpu.memory_space<vmem>>[vector<16xi32>], vector<16xf32>,
        %get3A_173 = arith.constant 9 : i32
        %get3A_174 = arith.index_cast %get3A_173 : i32 to index
        %get3A_175 = arith.index_cast %mul3A_101 : i32 to index
        %get3A_176 = tpu.vector_load %arg6[%get3A_174, %get3A_175] {strides = array<i32>} : memref<27x512xi32, #tpu.memory_space<vmem>>, vector<16xi32>,
        %get3A_177 = arith.constant 10 : i32
        %get3A_178 = arith.index_cast %get3A_177 : i32 to index
        %get3A_179 = arith.index_cast %mul3A_101 : i32 to index
        %get3A_180 = tpu.vector_load %arg6[%get3A_178, %get3A_179] {strides = array<i32>} : memref<27x512xi32, #tpu.memory_space<vmem>>, vector<16xi32>,
        %get3A_181 = arith.constant 11 : i32
        %get3A_182 = arith.index_cast %get3A_181 : i32 to index
        %get3A_183 = arith.index_cast %mul3A_101 : i32 to index
        %get3A_184 = tpu.vector_load %arg6[%get3A_182, %get3A_183] {strides = array<i32>} : memref<27x512xi32, #tpu.memory_space<vmem>>, vector<16xi32>,
        %get3A_185 = arith.constant 12 : i32
        %get3A_186 = arith.index_cast %get3A_185 : i32 to index
        %get3A_187 = arith.index_cast %mul3A_101 : i32 to index
        %get3A_188 = tpu.vector_load %arg6[%get3A_186, %get3A_187] {strides = array<i32>} : memref<27x512xi32, #tpu.memory_space<vmem>>, vector<16xi32>,
        %get3A_189 = arith.constant 13 : i32
        %get3A_190 = arith.index_cast %get3A_189 : i32 to index
        %get3A_191 = arith.index_cast %mul3A_101 : i32 to index
        %get3A_192 = tpu.vector_load %arg6[%get3A_190, %get3A_191] {strides = array<i32>} : memref<27x512xi32, #tpu.memory_space<vmem>>, vector<16xi32>,
        %get3A_193 = arith.constant 14 : i32
        %get3A_194 = arith.index_cast %get3A_193 : i32 to index
        %get3A_195 = arith.index_cast %mul3A_101 : i32 to index
        %get3A_196 = tpu.vector_load %arg6[%get3A_194, %get3A_195] {strides = array<i32>} : memref<27x512xi32, #tpu.memory_space<vmem>>, vector<16xi32>,
        %get3A_197 = arith.constant 15 : i32
        %get3A_198 = arith.index_cast %get3A_197 : i32 to index
        %get3A_199 = arith.index_cast %mul3A_101 : i32 to index
        %get3A_200 = tpu.vector_load %arg6[%get3A_198, %get3A_199] {strides = array<i32>} : memref<27x512xi32, #tpu.memory_space<vmem>>, vector<16xi32>,
        %get3A_201 = arith.constant 16 : i32
        %get3A_202 = arith.index_cast %get3A_201 : i32 to index
        %get3A_203 = arith.index_cast %mul3A_101 : i32 to index
        %get3A_204 = tpu.vector_load %arg6[%get3A_202, %get3A_203] {strides = array<i32>} : memref<27x512xi32, #tpu.memory_space<vmem>>, vector<16xi32>,
        %get3A_205 = arith.constant 17 : i32
        %get3A_206 = arith.index_cast %get3A_205 : i32 to index
        %get3A_207 = arith.index_cast %mul3A_101 : i32 to index
        %get3A_208 = tpu.vector_load %arg6[%get3A_206, %get3A_207] {strides = array<i32>} : memref<27x512xi32, #tpu.memory_space<vmem>>, vector<16xi32>,
        %get3A_209 = arith.constant 9 : i32
        %get3A_210 = arith.index_cast %get3A_209 : i32 to index
        %get3A_211 = arith.index_cast %mul3A_101 : i32 to index
        %get3A_212 = tpu.vector_load %arg8[%get3A_210, %get3A_211] {strides = array<i32>} : memref<27x512xf32, #tpu.memory_space<vmem>>, vector<16xf32>,
        %get3A_213 = arith.constant 10 : i32
        %get3A_214 = arith.index_cast %get3A_213 : i32 to index
        %get3A_215 = arith.index_cast %mul3A_101 : i32 to index
        %get3A_216 = tpu.vector_load %arg8[%get3A_214, %get3A_215] {strides = array<i32>} : memref<27x512xf32, #tpu.memory_space<vmem>>, vector<16xf32>,
        %get3A_217 = arith.constant 11 : i32
        %get3A_218 = arith.index_cast %get3A_217 : i32 to index
        %get3A_219 = arith.index_cast %mul3A_101 : i32 to index
        %get3A_220 = tpu.vector_load %arg8[%get3A_218, %get3A_219] {strides = array<i32>} : memref<27x512xf32, #tpu.memory_space<vmem>>, vector<16xf32>,
        %get3A_221 = arith.constant 12 : i32
        %get3A_222 = arith.index_cast %get3A_221 : i32 to index
        %get3A_223 = arith.index_cast %mul3A_101 : i32 to index
        %get3A_224 = tpu.vector_load %arg8[%get3A_222, %get3A_223] {strides = array<i32>} : memref<27x512xf32, #tpu.memory_space<vmem>>, vector<16xf32>,
        %get3A_225 = arith.constant 13 : i32
        %get3A_226 = arith.index_cast %get3A_225 : i32 to index
        %get3A_227 = arith.index_cast %mul3A_101 : i32 to index
        %get3A_228 = tpu.vector_load %arg8[%get3A_226, %get3A_227] {strides = array<i32>} : memref<27x512xf32, #tpu.memory_space<vmem>>, vector<16xf32>,
        %get3A_229 = arith.constant 14 : i32
        %get3A_230 = arith.index_cast %get3A_229 : i32 to index
        %get3A_231 = arith.index_cast %mul3A_101 : i32 to index
        %get3A_232 = tpu.vector_load %arg8[%get3A_230, %get3A_231] {strides = array<i32>} : memref<27x512xf32, #tpu.memory_space<vmem>>, vector<16xf32>,
        %get3A_233 = arith.constant 15 : i32
        %get3A_234 = arith.index_cast %get3A_233 : i32 to index
        %get3A_235 = arith.index_cast %mul3A_101 : i32 to index
        %get3A_236 = tpu.vector_load %arg8[%get3A_234, %get3A_235] {strides = array<i32>} : memref<27x512xf32, #tpu.memory_space<vmem>>, vector<16xf32>,
        %get3A_237 = arith.constant 16 : i32
        %get3A_238 = arith.index_cast %get3A_237 : i32 to index
        %get3A_239 = arith.index_cast %mul3A_101 : i32 to index
        %get3A_240 = tpu.vector_load %arg8[%get3A_238, %get3A_239] {strides = array<i32>} : memref<27x512xf32, #tpu.memory_space<vmem>>, vector<16xf32>,
        %get3A_241 = arith.constant 17 : i32
        %get3A_242 = arith.index_cast %get3A_241 : i32 to index
        %get3A_243 = arith.index_cast %mul3A_101 : i32 to index
        %get3A_244 = tpu.vector_load %arg8[%get3A_242, %get3A_243] {strides = array<i32>} : memref<27x512xf32, #tpu.memory_space<vmem>>, vector<16xf32>,
        tpu.vector_store_idx %arg5[%get3A_176], %get3A_212 {add = true} : memref<65536xf32, #tpu.memory_space<vmem>>[vector<16xi32>], vector<16xf32>,
        tpu.vector_store_idx %arg5[%get3A_180], %get3A_216 {add = true} : memref<65536xf32, #tpu.memory_space<vmem>>[vector<16xi32>], vector<16xf32>,
        tpu.vector_store_idx %arg5[%get3A_184], %get3A_220 {add = true} : memref<65536xf32, #tpu.memory_space<vmem>>[vector<16xi32>], vector<16xf32>,
        tpu.vector_store_idx %arg5[%get3A_188], %get3A_224 {add = true} : memref<65536xf32, #tpu.memory_space<vmem>>[vector<16xi32>], vector<16xf32>,
        tpu.vector_store_idx %arg5[%get3A_192], %get3A_228 {add = true} : memref<65536xf32, #tpu.memory_space<vmem>>[vector<16xi32>], vector<16xf32>,
        tpu.vector_store_idx %arg5[%get3A_196], %get3A_232 {add = true} : memref<65536xf32, #tpu.memory_space<vmem>>[vector<16xi32>], vector<16xf32>,
        tpu.vector_store_idx %arg5[%get3A_200], %get3A_236 {add = true} : memref<65536xf32, #tpu.memory_space<vmem>>[vector<16xi32>], vector<16xf32>,
        tpu.vector_store_idx %arg5[%get3A_204], %get3A_240 {add = true} : memref<65536xf32, #tpu.memory_space<vmem>>[vector<16xi32>], vector<16xf32>,
        tpu.vector_store_idx %arg5[%get3A_208], %get3A_244 {add = true} : memref<65536xf32, #tpu.memory_space<vmem>>[vector<16xi32>], vector<16xf32>,
        %get3A_245 = arith.constant 18 : i32
        %get3A_246 = arith.index_cast %get3A_245 : i32 to index
        %get3A_247 = arith.index_cast %mul3A_101 : i32 to index
        %get3A_248 = tpu.vector_load %arg6[%get3A_246, %get3A_247] {strides = array<i32>} : memref<27x512xi32, #tpu.memory_space<vmem>>, vector<16xi32>,
        %get3A_249 = arith.constant 19 : i32
        %get3A_250 = arith.index_cast %get3A_249 : i32 to index
        %get3A_251 = arith.index_cast %mul3A_101 : i32 to index
        %get3A_252 = tpu.vector_load %arg6[%get3A_250, %get3A_251] {strides = array<i32>} : memref<27x512xi32, #tpu.memory_space<vmem>>, vector<16xi32>,
        %get3A_253 = arith.constant 20 : i32
        %get3A_254 = arith.index_cast %get3A_253 : i32 to index
        %get3A_255 = arith.index_cast %mul3A_101 : i32 to index
        %get3A_256 = tpu.vector_load %arg6[%get3A_254, %get3A_255] {strides = array<i32>} : memref<27x512xi32, #tpu.memory_space<vmem>>, vector<16xi32>,
        %get3A_257 = arith.constant 21 : i32
        %get3A_258 = arith.index_cast %get3A_257 : i32 to index
        %get3A_259 = arith.index_cast %mul3A_101 : i32 to index
        %get3A_260 = tpu.vector_load %arg6[%get3A_258, %get3A_259] {strides = array<i32>} : memref<27x512xi32, #tpu.memory_space<vmem>>, vector<16xi32>,
        %get3A_261 = arith.constant 22 : i32
        %get3A_262 = arith.index_cast %get3A_261 : i32 to index
        %get3A_263 = arith.index_cast %mul3A_101 : i32 to index
        %get3A_264 = tpu.vector_load %arg6[%get3A_262, %get3A_263] {strides = array<i32>} : memref<27x512xi32, #tpu.memory_space<vmem>>, vector<16xi32>,
        %get3A_265 = arith.constant 23 : i32
        %get3A_266 = arith.index_cast %get3A_265 : i32 to index
        %get3A_267 = arith.index_cast %mul3A_101 : i32 to index
        %get3A_268 = tpu.vector_load %arg6[%get3A_266, %get3A_267] {strides = array<i32>} : memref<27x512xi32, #tpu.memory_space<vmem>>, vector<16xi32>,
        %get3A_269 = arith.constant 24 : i32
        %get3A_270 = arith.index_cast %get3A_269 : i32 to index
        %get3A_271 = arith.index_cast %mul3A_101 : i32 to index
        %get3A_272 = tpu.vector_load %arg6[%get3A_270, %get3A_271] {strides = array<i32>} : memref<27x512xi32, #tpu.memory_space<vmem>>, vector<16xi32>,
        %get3A_273 = arith.constant 25 : i32
        %get3A_274 = arith.index_cast %get3A_273 : i32 to index
        %get3A_275 = arith.index_cast %mul3A_101 : i32 to index
        %get3A_276 = tpu.vector_load %arg6[%get3A_274, %get3A_275] {strides = array<i32>} : memref<27x512xi32, #tpu.memory_space<vmem>>, vector<16xi32>,
        %get3A_277 = arith.constant 26 : i32
        %get3A_278 = arith.index_cast %get3A_277 : i32 to index
        %get3A_279 = arith.index_cast %mul3A_101 : i32 to index
        %get3A_280 = tpu.vector_load %arg6[%get3A_278, %get3A_279] {strides = array<i32>} : memref<27x512xi32, #tpu.memory_space<vmem>>, vector<16xi32>,
        %get3A_281 = arith.constant 18 : i32
        %get3A_282 = arith.index_cast %get3A_281 : i32 to index
        %get3A_283 = arith.index_cast %mul3A_101 : i32 to index
        %get3A_284 = tpu.vector_load %arg8[%get3A_282, %get3A_283] {strides = array<i32>} : memref<27x512xf32, #tpu.memory_space<vmem>>, vector<16xf32>,
        %get3A_285 = arith.constant 19 : i32
        %get3A_286 = arith.index_cast %get3A_285 : i32 to index
        %get3A_287 = arith.index_cast %mul3A_101 : i32 to index
        %get3A_288 = tpu.vector_load %arg8[%get3A_286, %get3A_287] {strides = array<i32>} : memref<27x512xf32, #tpu.memory_space<vmem>>, vector<16xf32>,
        %get3A_289 = arith.constant 20 : i32
        %get3A_290 = arith.index_cast %get3A_289 : i32 to index
        %get3A_291 = arith.index_cast %mul3A_101 : i32 to index
        %get3A_292 = tpu.vector_load %arg8[%get3A_290, %get3A_291] {strides = array<i32>} : memref<27x512xf32, #tpu.memory_space<vmem>>, vector<16xf32>,
        %get3A_293 = arith.constant 21 : i32
        %get3A_294 = arith.index_cast %get3A_293 : i32 to index
        %get3A_295 = arith.index_cast %mul3A_101 : i32 to index
        %get3A_296 = tpu.vector_load %arg8[%get3A_294, %get3A_295] {strides = array<i32>} : memref<27x512xf32, #tpu.memory_space<vmem>>, vector<16xf32>,
        %get3A_297 = arith.constant 22 : i32
        %get3A_298 = arith.index_cast %get3A_297 : i32 to index
        %get3A_299 = arith.index_cast %mul3A_101 : i32 to index
        %get3A_300 = tpu.vector_load %arg8[%get3A_298, %get3A_299] {strides = array<i32>} : memref<27x512xf32, #tpu.memory_space<vmem>>, vector<16xf32>,
        %get3A_301 = arith.constant 23 : i32
        %get3A_302 = arith.index_cast %get3A_301 : i32 to index
        %get3A_303 = arith.index_cast %mul3A_101 : i32 to index
        %get3A_304 = tpu.vector_load %arg8[%get3A_302, %get3A_303] {strides = array<i32>} : memref<27x512xf32, #tpu.memory_space<vmem>>, vector<16xf32>,
        %get3A_305 = arith.constant 24 : i32
        %get3A_306 = arith.index_cast %get3A_305 : i32 to index
        %get3A_307 = arith.index_cast %mul3A_101 : i32 to index
        %get3A_308 = tpu.vector_load %arg8[%get3A_306, %get3A_307] {strides = array<i32>} : memref<27x512xf32, #tpu.memory_space<vmem>>, vector<16xf32>,
        %get3A_309 = arith.constant 25 : i32
        %get3A_310 = arith.index_cast %get3A_309 : i32 to index
        %get3A_311 = arith.index_cast %mul3A_101 : i32 to index
        %get3A_312 = tpu.vector_load %arg8[%get3A_310, %get3A_311] {strides = array<i32>} : memref<27x512xf32, #tpu.memory_space<vmem>>, vector<16xf32>,
        %get3A_313 = arith.constant 26 : i32
        %get3A_314 = arith.index_cast %get3A_313 : i32 to index
        %get3A_315 = arith.index_cast %mul3A_101 : i32 to index
        %get3A_316 = tpu.vector_load %arg8[%get3A_314, %get3A_315] {strides = array<i32>} : memref<27x512xf32, #tpu.memory_space<vmem>>, vector<16xf32>,
        tpu.vector_store_idx %arg5[%get3A_248], %get3A_284 {add = true} : memref<65536xf32, #tpu.memory_space<vmem>>[vector<16xi32>], vector<16xf32>,
        tpu.vector_store_idx %arg5[%get3A_252], %get3A_288 {add = true} : memref<65536xf32, #tpu.memory_space<vmem>>[vector<16xi32>], vector<16xf32>,
        tpu.vector_store_idx %arg5[%get3A_256], %get3A_292 {add = true} : memref<65536xf32, #tpu.memory_space<vmem>>[vector<16xi32>], vector<16xf32>,
        tpu.vector_store_idx %arg5[%get3A_260], %get3A_296 {add = true} : memref<65536xf32, #tpu.memory_space<vmem>>[vector<16xi32>], vector<16xf32>,
        tpu.vector_store_idx %arg5[%get3A_264], %get3A_300 {add = true} : memref<65536xf32, #tpu.memory_space<vmem>>[vector<16xi32>], vector<16xf32>,
        tpu.vector_store_idx %arg5[%get3A_268], %get3A_304 {add = true} : memref<65536xf32, #tpu.memory_space<vmem>>[vector<16xi32>], vector<16xf32>,
        tpu.vector_store_idx %arg5[%get3A_272], %get3A_308 {add = true} : memref<65536xf32, #tpu.memory_space<vmem>>[vector<16xi32>], vector<16xf32>,
        tpu.vector_store_idx %arg5[%get3A_276], %get3A_312 {add = true} : memref<65536xf32, #tpu.memory_space<vmem>>[vector<16xi32>], vector<16xf32>,
        tpu.vector_store_idx %arg5[%get3A_280], %get3A_316 {add = true} : memref<65536xf32, #tpu.memory_space<vmem>>[vector<16xi32>], vector<16xf32>,
      }
      %scan3A_63 = arith.constant 32 : i32
      %add3A_64 = arith.constant 2 : i32
      %add3A_65 = arith.addi %add3A_44, %add3A_64 : i32
      %lt3A = arith.constant 128 : i32
      %lt3A_66 = arith.cmpi slt, %add3A_65, %lt3A : i32
      %convert_element_type3A = arith.extui %lt3A_66 : i1 to i32
      %cond3A = arith.constant 0 : i32
      %cond3A_67 = arith.cmpi ne, %convert_element_type3A, %cond3A : i32
      scf.if %cond3A_67 {
        %add3A_99 = arith.constant 2 : i32
        %add3A_100 = arith.addi %add3A_44, %add3A_99 : i32
        %mul3A_101 = arith.constant 512 : i32
        %mul3A_102 = arith.muli %add3A_100, %mul3A_101 : i32
        %dma_start3A_103 = arith.constant 0 : i32
        %dma_start3A_104 = tpu.memref_slice %arg3[%dma_start3A_103, %mul3A_102] : memref<27x65536xi32, #tpu.memory_space<hbm>> -> memref<27x512xi32, #tpu.memory_space<hbm>>
        %dma_start3A_105 = arith.constant 0 : i32
        %dma_start3A_106 = tpu.memref_slice %arg3[%dma_start3A_105, %mul3A_102] : memref<27x65536xi32, #tpu.memory_space<hbm>> -> memref<27x512xi32, #tpu.memory_space<hbm>>
        tpu.enqueue_dma source(%dma_start3A_106 : memref<27x512xi32, #tpu.memory_space<hbm>>) target(%arg6 : memref<27x512xi32, #tpu.memory_space<vmem>>) target_semaphore(%arg10 : memref<!tpu.dma_semaphore, #tpu.memory_space<semaphore_mem>>)
        %mul3A_107 = arith.constant 512 : i32
        %mul3A_108 = arith.muli %add3A_100, %mul3A_107 : i32
        %dma_start3A_109 = arith.constant 0 : i32
        %dma_start3A_110 = tpu.memref_slice %arg2[%dma_start3A_109, %add3A, %mul3A_108] : memref<27x32x65536xf32, #tpu.memory_space<hbm>> -> memref<27x1x512xf32, #tpu.memory_space<hbm>>
        %dma_start3A_111 = tpu.memref_squeeze %dma_start3A_110 : memref<27x1x512xf32, #tpu.memory_space<hbm>> -> memref<27x512xf32, #tpu.memory_space<hbm>>
        %dma_start3A_112 = arith.constant 0 : i32
        %dma_start3A_113 = tpu.memref_slice %arg2[%dma_start3A_112, %add3A, %mul3A_108] : memref<27x32x65536xf32, #tpu.memory_space<hbm>> -> memref<27x1x512xf32, #tpu.memory_space<hbm>>
        %dma_start3A_114 = tpu.memref_squeeze %dma_start3A_113 : memref<27x1x512xf32, #tpu.memory_space<hbm>> -> memref<27x512xf32, #tpu.memory_space<hbm>>
        tpu.enqueue_dma source(%dma_start3A_114 : memref<27x512xf32, #tpu.memory_space<hbm>>) target(%arg8 : memref<27x512xf32, #tpu.memory_space<vmem>>) target_semaphore(%arg12 : memref<!tpu.dma_semaphore, #tpu.memory_space<semaphore_mem>>)
      } else {
      }
      %mul3A_68 = arith.constant 2 : i32
      %mul3A_69 = arith.muli %scan3A_40, %mul3A_68 : i32
      %add3A_70 = arith.constant 1 : i32
      %add3A_71 = arith.addi %mul3A_69, %add3A_70 : i32
      %mul3A_72 = arith.constant 512 : i32
      %mul3A_73 = arith.muli %add3A_71, %mul3A_72 : i32
      %dma_wait3A_74 = arith.constant 0 : i32
      %dma_wait3A_75 = tpu.memref_slice %arg3[%dma_wait3A_74, %mul3A_73] : memref<27x65536xi32, #tpu.memory_space<hbm>> -> memref<27x512xi32, #tpu.memory_space<hbm>>
      %dma_wait3A_76 = arith.constant 0 : i32
      %dma_wait3A_77 = tpu.memref_slice %arg3[%dma_wait3A_76, %mul3A_73] : memref<27x65536xi32, #tpu.memory_space<hbm>> -> memref<27x512xi32, #tpu.memory_space<hbm>>
      tpu.wait_dma2 semaphore(%arg11 : memref<!tpu.dma_semaphore, #tpu.memory_space<semaphore_mem>>) src(%dma_wait3A_77 : memref<27x512xi32, #tpu.memory_space<hbm>>) dst(%arg7 : memref<27x512xi32, #tpu.memory_space<vmem>>)
      %mul3A_78 = arith.constant 512 : i32
      %mul3A_79 = arith.muli %add3A_71, %mul3A_78 : i32
      %dma_wait3A_80 = arith.constant 0 : i32
      %dma_wait3A_81 = tpu.memref_slice %arg2[%dma_wait3A_80, %add3A, %mul3A_79] : memref<27x32x65536xf32, #tpu.memory_space<hbm>> -> memref<27x1x512xf32, #tpu.memory_space<hbm>>
      %dma_wait3A_82 = tpu.memref_squeeze %dma_wait3A_81 : memref<27x1x512xf32, #tpu.memory_space<hbm>> -> memref<27x512xf32, #tpu.memory_space<hbm>>
      %dma_wait3A_83 = arith.constant 0 : i32
      %dma_wait3A_84 = tpu.memref_slice %arg2[%dma_wait3A_83, %add3A, %mul3A_79] : memref<27x32x65536xf32, #tpu.memory_space<hbm>> -> memref<27x1x512xf32, #tpu.memory_space<hbm>>
      %dma_wait3A_85 = tpu.memref_squeeze %dma_wait3A_84 : memref<27x1x512xf32, #tpu.memory_space<hbm>> -> memref<27x512xf32, #tpu.memory_space<hbm>>
      tpu.wait_dma2 semaphore(%arg13 : memref<!tpu.dma_semaphore, #tpu.memory_space<semaphore_mem>>) src(%dma_wait3A_85 : memref<27x512xf32, #tpu.memory_space<hbm>>) dst(%arg9 : memref<27x512xf32, #tpu.memory_space<vmem>>)
      %scan3A_86 = arith.constant 0 : i32
      %scan3A_87 = arith.constant 0 : i32
      %scan3A_88 = arith.constant 32 : i32
      %scan3A_89 = arith.addi %scan3A_87, %scan3A_88 : i32
      %scan3A_90 = arith.constant 1 : i32
      scf.for %scan3A_99 = %scan3A_87 to %scan3A_89 step %scan3A_90  : i32 {
        %mul3A_100 = arith.constant 16 : i32
        %mul3A_101 = arith.muli %scan3A_99, %mul3A_100 : i32
        %get3A = arith.constant 0 : i32
        %get3A_102 = arith.index_cast %get3A : i32 to index
        %get3A_103 = arith.index_cast %mul3A_101 : i32 to index
        %get3A_104 = tpu.vector_load %arg7[%get3A_102, %get3A_103] {strides = array<i32>} : memref<27x512xi32, #tpu.memory_space<vmem>>, vector<16xi32>,
        %get3A_105 = arith.constant 1 : i32
        %get3A_106 = arith.index_cast %get3A_105 : i32 to index
        %get3A_107 = arith.index_cast %mul3A_101 : i32 to index
        %get3A_108 = tpu.vector_load %arg7[%get3A_106, %get3A_107] {strides = array<i32>} : memref<27x512xi32, #tpu.memory_space<vmem>>, vector<16xi32>,
        %get3A_109 = arith.constant 2 : i32
        %get3A_110 = arith.index_cast %get3A_109 : i32 to index
        %get3A_111 = arith.index_cast %mul3A_101 : i32 to index
        %get3A_112 = tpu.vector_load %arg7[%get3A_110, %get3A_111] {strides = array<i32>} : memref<27x512xi32, #tpu.memory_space<vmem>>, vector<16xi32>,
        %get3A_113 = arith.constant 3 : i32
        %get3A_114 = arith.index_cast %get3A_113 : i32 to index
        %get3A_115 = arith.index_cast %mul3A_101 : i32 to index
        %get3A_116 = tpu.vector_load %arg7[%get3A_114, %get3A_115] {strides = array<i32>} : memref<27x512xi32, #tpu.memory_space<vmem>>, vector<16xi32>,
        %get3A_117 = arith.constant 4 : i32
        %get3A_118 = arith.index_cast %get3A_117 : i32 to index
        %get3A_119 = arith.index_cast %mul3A_101 : i32 to index
        %get3A_120 = tpu.vector_load %arg7[%get3A_118, %get3A_119] {strides = array<i32>} : memref<27x512xi32, #tpu.memory_space<vmem>>, vector<16xi32>,
        %get3A_121 = arith.constant 5 : i32
        %get3A_122 = arith.index_cast %get3A_121 : i32 to index
        %get3A_123 = arith.index_cast %mul3A_101 : i32 to index
        %get3A_124 = tpu.vector_load %arg7[%get3A_122, %get3A_123] {strides = array<i32>} : memref<27x512xi32, #tpu.memory_space<vmem>>, vector<16xi32>,
        %get3A_125 = arith.constant 6 : i32
        %get3A_126 = arith.index_cast %get3A_125 : i32 to index
        %get3A_127 = arith.index_cast %mul3A_101 : i32 to index
        %get3A_128 = tpu.vector_load %arg7[%get3A_126, %get3A_127] {strides = array<i32>} : memref<27x512xi32, #tpu.memory_space<vmem>>, vector<16xi32>,
        %get3A_129 = arith.constant 7 : i32
        %get3A_130 = arith.index_cast %get3A_129 : i32 to index
        %get3A_131 = arith.index_cast %mul3A_101 : i32 to index
        %get3A_132 = tpu.vector_load %arg7[%get3A_130, %get3A_131] {strides = array<i32>} : memref<27x512xi32, #tpu.memory_space<vmem>>, vector<16xi32>,
        %get3A_133 = arith.constant 8 : i32
        %get3A_134 = arith.index_cast %get3A_133 : i32 to index
        %get3A_135 = arith.index_cast %mul3A_101 : i32 to index
        %get3A_136 = tpu.vector_load %arg7[%get3A_134, %get3A_135] {strides = array<i32>} : memref<27x512xi32, #tpu.memory_space<vmem>>, vector<16xi32>,
        %get3A_137 = arith.constant 0 : i32
        %get3A_138 = arith.index_cast %get3A_137 : i32 to index
        %get3A_139 = arith.index_cast %mul3A_101 : i32 to index
        %get3A_140 = tpu.vector_load %arg9[%get3A_138, %get3A_139] {strides = array<i32>} : memref<27x512xf32, #tpu.memory_space<vmem>>, vector<16xf32>,
        %get3A_141 = arith.constant 1 : i32
        %get3A_142 = arith.index_cast %get3A_141 : i32 to index
        %get3A_143 = arith.index_cast %mul3A_101 : i32 to index
        %get3A_144 = tpu.vector_load %arg9[%get3A_142, %get3A_143] {strides = array<i32>} : memref<27x512xf32, #tpu.memory_space<vmem>>, vector<16xf32>,
        %get3A_145 = arith.constant 2 : i32
        %get3A_146 = arith.index_cast %get3A_145 : i32 to index
        %get3A_147 = arith.index_cast %mul3A_101 : i32 to index
        %get3A_148 = tpu.vector_load %arg9[%get3A_146, %get3A_147] {strides = array<i32>} : memref<27x512xf32, #tpu.memory_space<vmem>>, vector<16xf32>,
        %get3A_149 = arith.constant 3 : i32
        %get3A_150 = arith.index_cast %get3A_149 : i32 to index
        %get3A_151 = arith.index_cast %mul3A_101 : i32 to index
        %get3A_152 = tpu.vector_load %arg9[%get3A_150, %get3A_151] {strides = array<i32>} : memref<27x512xf32, #tpu.memory_space<vmem>>, vector<16xf32>,
        %get3A_153 = arith.constant 4 : i32
        %get3A_154 = arith.index_cast %get3A_153 : i32 to index
        %get3A_155 = arith.index_cast %mul3A_101 : i32 to index
        %get3A_156 = tpu.vector_load %arg9[%get3A_154, %get3A_155] {strides = array<i32>} : memref<27x512xf32, #tpu.memory_space<vmem>>, vector<16xf32>,
        %get3A_157 = arith.constant 5 : i32
        %get3A_158 = arith.index_cast %get3A_157 : i32 to index
        %get3A_159 = arith.index_cast %mul3A_101 : i32 to index
        %get3A_160 = tpu.vector_load %arg9[%get3A_158, %get3A_159] {strides = array<i32>} : memref<27x512xf32, #tpu.memory_space<vmem>>, vector<16xf32>,
        %get3A_161 = arith.constant 6 : i32
        %get3A_162 = arith.index_cast %get3A_161 : i32 to index
        %get3A_163 = arith.index_cast %mul3A_101 : i32 to index
        %get3A_164 = tpu.vector_load %arg9[%get3A_162, %get3A_163] {strides = array<i32>} : memref<27x512xf32, #tpu.memory_space<vmem>>, vector<16xf32>,
        %get3A_165 = arith.constant 7 : i32
        %get3A_166 = arith.index_cast %get3A_165 : i32 to index
        %get3A_167 = arith.index_cast %mul3A_101 : i32 to index
        %get3A_168 = tpu.vector_load %arg9[%get3A_166, %get3A_167] {strides = array<i32>} : memref<27x512xf32, #tpu.memory_space<vmem>>, vector<16xf32>,
        %get3A_169 = arith.constant 8 : i32
        %get3A_170 = arith.index_cast %get3A_169 : i32 to index
        %get3A_171 = arith.index_cast %mul3A_101 : i32 to index
        %get3A_172 = tpu.vector_load %arg9[%get3A_170, %get3A_171] {strides = array<i32>} : memref<27x512xf32, #tpu.memory_space<vmem>>, vector<16xf32>,
        tpu.vector_store_idx %arg5[%get3A_104], %get3A_140 {add = true} : memref<65536xf32, #tpu.memory_space<vmem>>[vector<16xi32>], vector<16xf32>,
        tpu.vector_store_idx %arg5[%get3A_108], %get3A_144 {add = true} : memref<65536xf32, #tpu.memory_space<vmem>>[vector<16xi32>], vector<16xf32>,
        tpu.vector_store_idx %arg5[%get3A_112], %get3A_148 {add = true} : memref<65536xf32, #tpu.memory_space<vmem>>[vector<16xi32>], vector<16xf32>,
        tpu.vector_store_idx %arg5[%get3A_116], %get3A_152 {add = true} : memref<65536xf32, #tpu.memory_space<vmem>>[vector<16xi32>], vector<16xf32>,
        tpu.vector_store_idx %arg5[%get3A_120], %get3A_156 {add = true} : memref<65536xf32, #tpu.memory_space<vmem>>[vector<16xi32>], vector<16xf32>,
        tpu.vector_store_idx %arg5[%get3A_124], %get3A_160 {add = true} : memref<65536xf32, #tpu.memory_space<vmem>>[vector<16xi32>], vector<16xf32>,
        tpu.vector_store_idx %arg5[%get3A_128], %get3A_164 {add = true} : memref<65536xf32, #tpu.memory_space<vmem>>[vector<16xi32>], vector<16xf32>,
        tpu.vector_store_idx %arg5[%get3A_132], %get3A_168 {add = true} : memref<65536xf32, #tpu.memory_space<vmem>>[vector<16xi32>], vector<16xf32>,
        tpu.vector_store_idx %arg5[%get3A_136], %get3A_172 {add = true} : memref<65536xf32, #tpu.memory_space<vmem>>[vector<16xi32>], vector<16xf32>,
        %get3A_173 = arith.constant 9 : i32
        %get3A_174 = arith.index_cast %get3A_173 : i32 to index
        %get3A_175 = arith.index_cast %mul3A_101 : i32 to index
        %get3A_176 = tpu.vector_load %arg7[%get3A_174, %get3A_175] {strides = array<i32>} : memref<27x512xi32, #tpu.memory_space<vmem>>, vector<16xi32>,
        %get3A_177 = arith.constant 10 : i32
        %get3A_178 = arith.index_cast %get3A_177 : i32 to index
        %get3A_179 = arith.index_cast %mul3A_101 : i32 to index
        %get3A_180 = tpu.vector_load %arg7[%get3A_178, %get3A_179] {strides = array<i32>} : memref<27x512xi32, #tpu.memory_space<vmem>>, vector<16xi32>,
        %get3A_181 = arith.constant 11 : i32
        %get3A_182 = arith.index_cast %get3A_181 : i32 to index
        %get3A_183 = arith.index_cast %mul3A_101 : i32 to index
        %get3A_184 = tpu.vector_load %arg7[%get3A_182, %get3A_183] {strides = array<i32>} : memref<27x512xi32, #tpu.memory_space<vmem>>, vector<16xi32>,
        %get3A_185 = arith.constant 12 : i32
        %get3A_186 = arith.index_cast %get3A_185 : i32 to index
        %get3A_187 = arith.index_cast %mul3A_101 : i32 to index
        %get3A_188 = tpu.vector_load %arg7[%get3A_186, %get3A_187] {strides = array<i32>} : memref<27x512xi32, #tpu.memory_space<vmem>>, vector<16xi32>,
        %get3A_189 = arith.constant 13 : i32
        %get3A_190 = arith.index_cast %get3A_189 : i32 to index
        %get3A_191 = arith.index_cast %mul3A_101 : i32 to index
        %get3A_192 = tpu.vector_load %arg7[%get3A_190, %get3A_191] {strides = array<i32>} : memref<27x512xi32, #tpu.memory_space<vmem>>, vector<16xi32>,
        %get3A_193 = arith.constant 14 : i32
        %get3A_194 = arith.index_cast %get3A_193 : i32 to index
        %get3A_195 = arith.index_cast %mul3A_101 : i32 to index
        %get3A_196 = tpu.vector_load %arg7[%get3A_194, %get3A_195] {strides = array<i32>} : memref<27x512xi32, #tpu.memory_space<vmem>>, vector<16xi32>,
        %get3A_197 = arith.constant 15 : i32
        %get3A_198 = arith.index_cast %get3A_197 : i32 to index
        %get3A_199 = arith.index_cast %mul3A_101 : i32 to index
        %get3A_200 = tpu.vector_load %arg7[%get3A_198, %get3A_199] {strides = array<i32>} : memref<27x512xi32, #tpu.memory_space<vmem>>, vector<16xi32>,
        %get3A_201 = arith.constant 16 : i32
        %get3A_202 = arith.index_cast %get3A_201 : i32 to index
        %get3A_203 = arith.index_cast %mul3A_101 : i32 to index
        %get3A_204 = tpu.vector_load %arg7[%get3A_202, %get3A_203] {strides = array<i32>} : memref<27x512xi32, #tpu.memory_space<vmem>>, vector<16xi32>,
        %get3A_205 = arith.constant 17 : i32
        %get3A_206 = arith.index_cast %get3A_205 : i32 to index
        %get3A_207 = arith.index_cast %mul3A_101 : i32 to index
        %get3A_208 = tpu.vector_load %arg7[%get3A_206, %get3A_207] {strides = array<i32>} : memref<27x512xi32, #tpu.memory_space<vmem>>, vector<16xi32>,
        %get3A_209 = arith.constant 9 : i32
        %get3A_210 = arith.index_cast %get3A_209 : i32 to index
        %get3A_211 = arith.index_cast %mul3A_101 : i32 to index
        %get3A_212 = tpu.vector_load %arg9[%get3A_210, %get3A_211] {strides = array<i32>} : memref<27x512xf32, #tpu.memory_space<vmem>>, vector<16xf32>,
        %get3A_213 = arith.constant 10 : i32
        %get3A_214 = arith.index_cast %get3A_213 : i32 to index
        %get3A_215 = arith.index_cast %mul3A_101 : i32 to index
        %get3A_216 = tpu.vector_load %arg9[%get3A_214, %get3A_215] {strides = array<i32>} : memref<27x512xf32, #tpu.memory_space<vmem>>, vector<16xf32>,
        %get3A_217 = arith.constant 11 : i32
        %get3A_218 = arith.index_cast %get3A_217 : i32 to index
        %get3A_219 = arith.index_cast %mul3A_101 : i32 to index
        %get3A_220 = tpu.vector_load %arg9[%get3A_218, %get3A_219] {strides = array<i32>} : memref<27x512xf32, #tpu.memory_space<vmem>>, vector<16xf32>,
        %get3A_221 = arith.constant 12 : i32
        %get3A_222 = arith.index_cast %get3A_221 : i32 to index
        %get3A_223 = arith.index_cast %mul3A_101 : i32 to index
        %get3A_224 = tpu.vector_load %arg9[%get3A_222, %get3A_223] {strides = array<i32>} : memref<27x512xf32, #tpu.memory_space<vmem>>, vector<16xf32>,
        %get3A_225 = arith.constant 13 : i32
        %get3A_226 = arith.index_cast %get3A_225 : i32 to index
        %get3A_227 = arith.index_cast %mul3A_101 : i32 to index
        %get3A_228 = tpu.vector_load %arg9[%get3A_226, %get3A_227] {strides = array<i32>} : memref<27x512xf32, #tpu.memory_space<vmem>>, vector<16xf32>,
        %get3A_229 = arith.constant 14 : i32
        %get3A_230 = arith.index_cast %get3A_229 : i32 to index
        %get3A_231 = arith.index_cast %mul3A_101 : i32 to index
        %get3A_232 = tpu.vector_load %arg9[%get3A_230, %get3A_231] {strides = array<i32>} : memref<27x512xf32, #tpu.memory_space<vmem>>, vector<16xf32>,
        %get3A_233 = arith.constant 15 : i32
        %get3A_234 = arith.index_cast %get3A_233 : i32 to index
        %get3A_235 = arith.index_cast %mul3A_101 : i32 to index
        %get3A_236 = tpu.vector_load %arg9[%get3A_234, %get3A_235] {strides = array<i32>} : memref<27x512xf32, #tpu.memory_space<vmem>>, vector<16xf32>,
        %get3A_237 = arith.constant 16 : i32
        %get3A_238 = arith.index_cast %get3A_237 : i32 to index
        %get3A_239 = arith.index_cast %mul3A_101 : i32 to index
        %get3A_240 = tpu.vector_load %arg9[%get3A_238, %get3A_239] {strides = array<i32>} : memref<27x512xf32, #tpu.memory_space<vmem>>, vector<16xf32>,
        %get3A_241 = arith.constant 17 : i32
        %get3A_242 = arith.index_cast %get3A_241 : i32 to index
        %get3A_243 = arith.index_cast %mul3A_101 : i32 to index
        %get3A_244 = tpu.vector_load %arg9[%get3A_242, %get3A_243] {strides = array<i32>} : memref<27x512xf32, #tpu.memory_space<vmem>>, vector<16xf32>,
        tpu.vector_store_idx %arg5[%get3A_176], %get3A_212 {add = true} : memref<65536xf32, #tpu.memory_space<vmem>>[vector<16xi32>], vector<16xf32>,
        tpu.vector_store_idx %arg5[%get3A_180], %get3A_216 {add = true} : memref<65536xf32, #tpu.memory_space<vmem>>[vector<16xi32>], vector<16xf32>,
        tpu.vector_store_idx %arg5[%get3A_184], %get3A_220 {add = true} : memref<65536xf32, #tpu.memory_space<vmem>>[vector<16xi32>], vector<16xf32>,
        tpu.vector_store_idx %arg5[%get3A_188], %get3A_224 {add = true} : memref<65536xf32, #tpu.memory_space<vmem>>[vector<16xi32>], vector<16xf32>,
        tpu.vector_store_idx %arg5[%get3A_192], %get3A_228 {add = true} : memref<65536xf32, #tpu.memory_space<vmem>>[vector<16xi32>], vector<16xf32>,
        tpu.vector_store_idx %arg5[%get3A_196], %get3A_232 {add = true} : memref<65536xf32, #tpu.memory_space<vmem>>[vector<16xi32>], vector<16xf32>,
        tpu.vector_store_idx %arg5[%get3A_200], %get3A_236 {add = true} : memref<65536xf32, #tpu.memory_space<vmem>>[vector<16xi32>], vector<16xf32>,
        tpu.vector_store_idx %arg5[%get3A_204], %get3A_240 {add = true} : memref<65536xf32, #tpu.memory_space<vmem>>[vector<16xi32>], vector<16xf32>,
        tpu.vector_store_idx %arg5[%get3A_208], %get3A_244 {add = true} : memref<65536xf32, #tpu.memory_space<vmem>>[vector<16xi32>], vector<16xf32>,
        %get3A_245 = arith.constant 18 : i32
        %get3A_246 = arith.index_cast %get3A_245 : i32 to index
        %get3A_247 = arith.index_cast %mul3A_101 : i32 to index
        %get3A_248 = tpu.vector_load %arg7[%get3A_246, %get3A_247] {strides = array<i32>} : memref<27x512xi32, #tpu.memory_space<vmem>>, vector<16xi32>,
        %get3A_249 = arith.constant 19 : i32
        %get3A_250 = arith.index_cast %get3A_249 : i32 to index
        %get3A_251 = arith.index_cast %mul3A_101 : i32 to index
        %get3A_252 = tpu.vector_load %arg7[%get3A_250, %get3A_251] {strides = array<i32>} : memref<27x512xi32, #tpu.memory_space<vmem>>, vector<16xi32>,
        %get3A_253 = arith.constant 20 : i32
        %get3A_254 = arith.index_cast %get3A_253 : i32 to index
        %get3A_255 = arith.index_cast %mul3A_101 : i32 to index
        %get3A_256 = tpu.vector_load %arg7[%get3A_254, %get3A_255] {strides = array<i32>} : memref<27x512xi32, #tpu.memory_space<vmem>>, vector<16xi32>,
        %get3A_257 = arith.constant 21 : i32
        %get3A_258 = arith.index_cast %get3A_257 : i32 to index
        %get3A_259 = arith.index_cast %mul3A_101 : i32 to index
        %get3A_260 = tpu.vector_load %arg7[%get3A_258, %get3A_259] {strides = array<i32>} : memref<27x512xi32, #tpu.memory_space<vmem>>, vector<16xi32>,
        %get3A_261 = arith.constant 22 : i32
        %get3A_262 = arith.index_cast %get3A_261 : i32 to index
        %get3A_263 = arith.index_cast %mul3A_101 : i32 to index
        %get3A_264 = tpu.vector_load %arg7[%get3A_262, %get3A_263] {strides = array<i32>} : memref<27x512xi32, #tpu.memory_space<vmem>>, vector<16xi32>,
        %get3A_265 = arith.constant 23 : i32
        %get3A_266 = arith.index_cast %get3A_265 : i32 to index
        %get3A_267 = arith.index_cast %mul3A_101 : i32 to index
        %get3A_268 = tpu.vector_load %arg7[%get3A_266, %get3A_267] {strides = array<i32>} : memref<27x512xi32, #tpu.memory_space<vmem>>, vector<16xi32>,
        %get3A_269 = arith.constant 24 : i32
        %get3A_270 = arith.index_cast %get3A_269 : i32 to index
        %get3A_271 = arith.index_cast %mul3A_101 : i32 to index
        %get3A_272 = tpu.vector_load %arg7[%get3A_270, %get3A_271] {strides = array<i32>} : memref<27x512xi32, #tpu.memory_space<vmem>>, vector<16xi32>,
        %get3A_273 = arith.constant 25 : i32
        %get3A_274 = arith.index_cast %get3A_273 : i32 to index
        %get3A_275 = arith.index_cast %mul3A_101 : i32 to index
        %get3A_276 = tpu.vector_load %arg7[%get3A_274, %get3A_275] {strides = array<i32>} : memref<27x512xi32, #tpu.memory_space<vmem>>, vector<16xi32>,
        %get3A_277 = arith.constant 26 : i32
        %get3A_278 = arith.index_cast %get3A_277 : i32 to index
        %get3A_279 = arith.index_cast %mul3A_101 : i32 to index
        %get3A_280 = tpu.vector_load %arg7[%get3A_278, %get3A_279] {strides = array<i32>} : memref<27x512xi32, #tpu.memory_space<vmem>>, vector<16xi32>,
        %get3A_281 = arith.constant 18 : i32
        %get3A_282 = arith.index_cast %get3A_281 : i32 to index
        %get3A_283 = arith.index_cast %mul3A_101 : i32 to index
        %get3A_284 = tpu.vector_load %arg9[%get3A_282, %get3A_283] {strides = array<i32>} : memref<27x512xf32, #tpu.memory_space<vmem>>, vector<16xf32>,
        %get3A_285 = arith.constant 19 : i32
        %get3A_286 = arith.index_cast %get3A_285 : i32 to index
        %get3A_287 = arith.index_cast %mul3A_101 : i32 to index
        %get3A_288 = tpu.vector_load %arg9[%get3A_286, %get3A_287] {strides = array<i32>} : memref<27x512xf32, #tpu.memory_space<vmem>>, vector<16xf32>,
        %get3A_289 = arith.constant 20 : i32
        %get3A_290 = arith.index_cast %get3A_289 : i32 to index
        %get3A_291 = arith.index_cast %mul3A_101 : i32 to index
        %get3A_292 = tpu.vector_load %arg9[%get3A_290, %get3A_291] {strides = array<i32>} : memref<27x512xf32, #tpu.memory_space<vmem>>, vector<16xf32>,
        %get3A_293 = arith.constant 21 : i32
        %get3A_294 = arith.index_cast %get3A_293 : i32 to index
        %get3A_295 = arith.index_cast %mul3A_101 : i32 to index
        %get3A_296 = tpu.vector_load %arg9[%get3A_294, %get3A_295] {strides = array<i32>} : memref<27x512xf32, #tpu.memory_space<vmem>>, vector<16xf32>,
        %get3A_297 = arith.constant 22 : i32
        %get3A_298 = arith.index_cast %get3A_297 : i32 to index
        %get3A_299 = arith.index_cast %mul3A_101 : i32 to index
        %get3A_300 = tpu.vector_load %arg9[%get3A_298, %get3A_299] {strides = array<i32>} : memref<27x512xf32, #tpu.memory_space<vmem>>, vector<16xf32>,
        %get3A_301 = arith.constant 23 : i32
        %get3A_302 = arith.index_cast %get3A_301 : i32 to index
        %get3A_303 = arith.index_cast %mul3A_101 : i32 to index
        %get3A_304 = tpu.vector_load %arg9[%get3A_302, %get3A_303] {strides = array<i32>} : memref<27x512xf32, #tpu.memory_space<vmem>>, vector<16xf32>,
        %get3A_305 = arith.constant 24 : i32
        %get3A_306 = arith.index_cast %get3A_305 : i32 to index
        %get3A_307 = arith.index_cast %mul3A_101 : i32 to index
        %get3A_308 = tpu.vector_load %arg9[%get3A_306, %get3A_307] {strides = array<i32>} : memref<27x512xf32, #tpu.memory_space<vmem>>, vector<16xf32>,
        %get3A_309 = arith.constant 25 : i32
        %get3A_310 = arith.index_cast %get3A_309 : i32 to index
        %get3A_311 = arith.index_cast %mul3A_101 : i32 to index
        %get3A_312 = tpu.vector_load %arg9[%get3A_310, %get3A_311] {strides = array<i32>} : memref<27x512xf32, #tpu.memory_space<vmem>>, vector<16xf32>,
        %get3A_313 = arith.constant 26 : i32
        %get3A_314 = arith.index_cast %get3A_313 : i32 to index
        %get3A_315 = arith.index_cast %mul3A_101 : i32 to index
        %get3A_316 = tpu.vector_load %arg9[%get3A_314, %get3A_315] {strides = array<i32>} : memref<27x512xf32, #tpu.memory_space<vmem>>, vector<16xf32>,
        tpu.vector_store_idx %arg5[%get3A_248], %get3A_284 {add = true} : memref<65536xf32, #tpu.memory_space<vmem>>[vector<16xi32>], vector<16xf32>,
        tpu.vector_store_idx %arg5[%get3A_252], %get3A_288 {add = true} : memref<65536xf32, #tpu.memory_space<vmem>>[vector<16xi32>], vector<16xf32>,
        tpu.vector_store_idx %arg5[%get3A_256], %get3A_292 {add = true} : memref<65536xf32, #tpu.memory_space<vmem>>[vector<16xi32>], vector<16xf32>,
        tpu.vector_store_idx %arg5[%get3A_260], %get3A_296 {add = true} : memref<65536xf32, #tpu.memory_space<vmem>>[vector<16xi32>], vector<16xf32>,
        tpu.vector_store_idx %arg5[%get3A_264], %get3A_300 {add = true} : memref<65536xf32, #tpu.memory_space<vmem>>[vector<16xi32>], vector<16xf32>,
        tpu.vector_store_idx %arg5[%get3A_268], %get3A_304 {add = true} : memref<65536xf32, #tpu.memory_space<vmem>>[vector<16xi32>], vector<16xf32>,
        tpu.vector_store_idx %arg5[%get3A_272], %get3A_308 {add = true} : memref<65536xf32, #tpu.memory_space<vmem>>[vector<16xi32>], vector<16xf32>,
        tpu.vector_store_idx %arg5[%get3A_276], %get3A_312 {add = true} : memref<65536xf32, #tpu.memory_space<vmem>>[vector<16xi32>], vector<16xf32>,
        tpu.vector_store_idx %arg5[%get3A_280], %get3A_316 {add = true} : memref<65536xf32, #tpu.memory_space<vmem>>[vector<16xi32>], vector<16xf32>,
      }
      %scan3A_91 = arith.constant 32 : i32
      %add3A_92 = arith.constant 2 : i32
      %add3A_93 = arith.addi %add3A_71, %add3A_92 : i32
      %lt3A_94 = arith.constant 128 : i32
      %lt3A_95 = arith.cmpi slt, %add3A_93, %lt3A_94 : i32
      %convert_element_type3A_96 = arith.extui %lt3A_95 : i1 to i32
      %cond3A_97 = arith.constant 0 : i32
      %cond3A_98 = arith.cmpi ne, %convert_element_type3A_96, %cond3A_97 : i32
      scf.if %cond3A_98 {
        %add3A_99 = arith.constant 2 : i32
        %add3A_100 = arith.addi %add3A_71, %add3A_99 : i32
        %mul3A_101 = arith.constant 512 : i32
        %mul3A_102 = arith.muli %add3A_100, %mul3A_101 : i32
        %dma_start3A_103 = arith.constant 0 : i32
        %dma_start3A_104 = tpu.memref_slice %arg3[%dma_start3A_103, %mul3A_102] : memref<27x65536xi32, #tpu.memory_space<hbm>> -> memref<27x512xi32, #tpu.memory_space<hbm>>
        %dma_start3A_105 = arith.constant 0 : i32
        %dma_start3A_106 = tpu.memref_slice %arg3[%dma_start3A_105, %mul3A_102] : memref<27x65536xi32, #tpu.memory_space<hbm>> -> memref<27x512xi32, #tpu.memory_space<hbm>>
        tpu.enqueue_dma source(%dma_start3A_106 : memref<27x512xi32, #tpu.memory_space<hbm>>) target(%arg7 : memref<27x512xi32, #tpu.memory_space<vmem>>) target_semaphore(%arg11 : memref<!tpu.dma_semaphore, #tpu.memory_space<semaphore_mem>>)
        %mul3A_107 = arith.constant 512 : i32
        %mul3A_108 = arith.muli %add3A_100, %mul3A_107 : i32
        %dma_start3A_109 = arith.constant 0 : i32
        %dma_start3A_110 = tpu.memref_slice %arg2[%dma_start3A_109, %add3A, %mul3A_108] : memref<27x32x65536xf32, #tpu.memory_space<hbm>> -> memref<27x1x512xf32, #tpu.memory_space<hbm>>
        %dma_start3A_111 = tpu.memref_squeeze %dma_start3A_110 : memref<27x1x512xf32, #tpu.memory_space<hbm>> -> memref<27x512xf32, #tpu.memory_space<hbm>>
        %dma_start3A_112 = arith.constant 0 : i32
        %dma_start3A_113 = tpu.memref_slice %arg2[%dma_start3A_112, %add3A, %mul3A_108] : memref<27x32x65536xf32, #tpu.memory_space<hbm>> -> memref<27x1x512xf32, #tpu.memory_space<hbm>>
        %dma_start3A_114 = tpu.memref_squeeze %dma_start3A_113 : memref<27x1x512xf32, #tpu.memory_space<hbm>> -> memref<27x512xf32, #tpu.memory_space<hbm>>
        tpu.enqueue_dma source(%dma_start3A_114 : memref<27x512xf32, #tpu.memory_space<hbm>>) target(%arg9 : memref<27x512xf32, #tpu.memory_space<vmem>>) target_semaphore(%arg13 : memref<!tpu.dma_semaphore, #tpu.memory_space<semaphore_mem>>)
      } else {
      }
    }
    %scan3A_39 = arith.constant 64 : i32
    "tpu.region"() ({
      %run_scoped3A = tpu.sem_alloc : memref<!tpu.dma_semaphore, #tpu.memory_space<semaphore_mem>>
      %dma_start3A_40 = arith.constant 0 : i32
      %dma_start3A_41 = tpu.memref_slice %arg4[%add3A, %dma_start3A_40] : memref<32x65536xf32, #tpu.memory_space<hbm>> -> memref<1x65536xf32, #tpu.memory_space<hbm>>
      %dma_start3A_42 = tpu.memref_squeeze %dma_start3A_41 : memref<1x65536xf32, #tpu.memory_space<hbm>> -> memref<65536xf32, #tpu.memory_space<hbm>>
      %dma_start3A_43 = arith.constant 0 : i32
      %dma_start3A_44 = tpu.memref_slice %arg4[%add3A, %dma_start3A_43] : memref<32x65536xf32, #tpu.memory_space<hbm>> -> memref<1x65536xf32, #tpu.memory_space<hbm>>
      %dma_start3A_45 = tpu.memref_squeeze %dma_start3A_44 : memref<1x65536xf32, #tpu.memory_space<hbm>> -> memref<65536xf32, #tpu.memory_space<hbm>>
      tpu.enqueue_dma source(%arg5 : memref<65536xf32, #tpu.memory_space<vmem>>) target(%dma_start3A_45 : memref<65536xf32, #tpu.memory_space<hbm>>) target_semaphore(%run_scoped3A : memref<!tpu.dma_semaphore, #tpu.memory_space<semaphore_mem>>)
      %dma_wait3A = arith.constant 0 : i32
      %dma_wait3A_46 = tpu.memref_slice %arg4[%add3A, %dma_wait3A] : memref<32x65536xf32, #tpu.memory_space<hbm>> -> memref<1x65536xf32, #tpu.memory_space<hbm>>
      %dma_wait3A_47 = tpu.memref_squeeze %dma_wait3A_46 : memref<1x65536xf32, #tpu.memory_space<hbm>> -> memref<65536xf32, #tpu.memory_space<hbm>>
      %dma_wait3A_48 = arith.constant 0 : i32
      %dma_wait3A_49 = tpu.memref_slice %arg4[%add3A, %dma_wait3A_48] : memref<32x65536xf32, #tpu.memory_space<hbm>> -> memref<1x65536xf32, #tpu.memory_space<hbm>>
      %dma_wait3A_50 = tpu.memref_squeeze %dma_wait3A_49 : memref<1x65536xf32, #tpu.memory_space<hbm>> -> memref<65536xf32, #tpu.memory_space<hbm>>
      tpu.wait_dma2 semaphore(%run_scoped3A : memref<!tpu.dma_semaphore, #tpu.memory_space<semaphore_mem>>) src(%arg5 : memref<65536xf32, #tpu.memory_space<vmem>>) dst(%dma_wait3A_50 : memref<65536xf32, #tpu.memory_space<hbm>>)
      tpu.yield
    }) : () -> ()
    return
  }
}

</mosaic_0001>

<sc_bundles>
// kernel: _col2octree_sc.3.cloned.1.call-start
scs
__scs_entry_jumppad:
0x0: {  	(pc) =	sbr.rel $0x88, $3  }
0x1: {  	(tag) =	ssettag $0x0;
	lr =	simm.s32 $0x1  }
0x2: {  	[smem:$0x3F9F] =	sst lr;
	_ =	strace $0xD0000000  }
0x3: {  	_ = 	snop  }
0x4: {  	_ = 	snop  }
0x5: {  	_ = 	snop  }
0x6: {  	_ = 	snop  }
0x7: {  	_ = 	snop  }
__scs_overlays_trampoline_lowered:
0x8: {  	[smem:$0x3FAE] =	sst s0  }
0x9: {  	[smem:$0x3FAF] =	sst s1  }
0xa: {  	[smem:$0x3FB0] =	sst s2  }
0xb: {  	[smem:$0x3FB1] =	sst s3  }
0xc: {  	[smem:$0x3FB2] =	sst s4  }
0xd: {  	[smem:$0x3FB3] =	sst s5  }
0xe: {  	[smem:$0x3FB4] =	sst s6  }
0xf: {  	[smem:$0x3FB5] =	sst s7  }
0x10: {  	[smem:$0x3FB6] =	sst s8  }
0x11: {  	[smem:$0x3FB7] =	sst s9;
	s0 =	simm.s32 @!p0 $0x0  }
0x12: {  	s1 =	sld [smem:$0x3F9D];
	s0 =	simm.s32 @p0 $0x1  }
0x13: {  	[smem:$0x3FB8] =	sst s0;
	s0 =	simm.s32 @!p1 $0x0  }
0x14: {  	s2 =	sld [smem:$0x3F9C];
	s0 =	simm.s32 @p1 $0x1  }
0x15: {  	[smem:$0x3FB9] =	sst s0;
	s0 =	simm.s32 @!p2 $0x0  }
0x16: {  	s3 =	sld [smem:$0x3FDB];
	s0 =	simm.s32 @p2 $0x1  }
0x17: {  	s4 =	simm.s32 $0x1BF5;
	[smem:$0x3FBB] =	sst s0  }
0x18: {  	s0 =	sld [smem:$0x3F9E];
	_ =	swait.ge [sflag:s4], $0x0  }
0x19: {  	s7 =	sld [smem:$0x3F9F]  }
0x1a: {  	s8 =	sadd.s32 $0xFFFFE003, lr  }
0x1b: {  	s9 =	sadd.s32 $0xFFFFFEF7, lr;
	s5 =	simm.s32 $0xFFFFFFFF;
	p2 =	slt.u32 s8, $0xFFFFF086  }
0x1c: {  	p1 =	slt.u32 s9, $0xF7A;
	s5 =	simm.s32 @!p2 $0x0  }
0x1d: {  	s5 =	simm.s32 @p1 $0x1;
	p0 =	seq.s32 s7, s2  }
0x1e: {  	s7 =	smul.u32 @!p0 $0xF7A, s2;
	p2 =	seq.s32 @!p0 s5, $0x0  }
0x1f: {  	s9 =	smul.u32 $0xF7A, s1;
	s8 =	simm.s32 @!p0 $0x1BF5;
	p2 =	por !p2, p0  }
0x20: {  	[sflag:s8] =	ssyncset.s32 @!p0 $0xFFFFF086;
	s6 =	sadd.s32 @!p0 s3, s7;
	s7 =	simm.s32 @!p0 $0x108  }
0x21: {  	s3 =	sadd.s32 s3, s9;
	s6 =	sadd.s32 @!p0 $0x88, s6;
	s7 =	simm.s32 @p2 $0x1082  }
0x22: {  	[simem:s7], [sflag:s8] =	dma.local @!p0 [hbm:s6], $0xF7A  }
0x23: {  	s9 =	sor.u32 $0xD0000000, s2;
	s6 =	simm.s32 $0x108;
	_ =	swait.ge @!p0 [sflag:s8], $0x0  }
0x24: {  	s3 =	sadd.s32 $0x88, s3;
	s6 =	simm.s32 @!p1 $0x1082;
	[sflag:s4] =	ssyncset.s32 $0xFFFFF086  }
0x25: {  	[simem:s6], [sflag:s4] =	dma.local [hbm:s3], $0xF7A  }
0x26: {  	[smem:$0x3F9F] =	sst s1;
	(tag) =	ssettag s2;
	_ =	strace s9  }
0x27: {  	s1 =	sld [smem:$0x3FAF]  }
0x28: {  	s2 =	sld [smem:$0x3FB0]  }
0x29: {  	s4 =	sld [smem:$0x3FB2]  }
0x2a: {  	p0 =	seq.s32 s5, $0x0;
	s5 =	sld [smem:$0x3FB3]  }
0x2b: {  	s6 =	sld [smem:$0x3FB4]  }
0x2c: {  	s7 =	sld [smem:$0x3FB5]  }
0x2d: {  	s3 =	simm.s32 $0x108;
	s8 =	sld [smem:$0x3FB6]  }
0x2e: {  	s3 =	simm.s32 @!p0 $0x1082;
	s9 =	sld [smem:$0x3FB7]  }
0x2f: {  	lr =	sadd.s32 s0, s3;
	s0 =	sld [smem:$0x3FAE]  }
0x30: {  	s3 =	sld [smem:$0x3FB1]  }
0x31: {  	[smem:$0x3FBA] =	sst s10  }
0x32: {  	s10 =	sld [smem:$0x3FB8];
	_ =	sdelay $0x3  }
0x33: {  	p0 =	seq.s32 s10, $0x1;
	s10 =	sld [smem:$0x3FBA];
	_ =	sdelay $0x3  }
0x34: {  	[smem:$0x3FBA] =	sst s10  }
0x35: {  	s10 =	sld [smem:$0x3FB9];
	_ =	sdelay $0x3  }
0x36: {  	p1 =	seq.s32 s10, $0x1;
	s10 =	sld [smem:$0x3FBA];
	_ =	sdelay $0x3  }
0x37: {  	[smem:$0x3FBA] =	sst s10  }
0x38: {  	s10 =	sld [smem:$0x3FBB]  }
0x39: {  	_ = 	snop;
	(pc) =	sbr.ind lr, $3  }
0x3a: {  	_ = 	snop  }
0x3b: {  	_ = 	snop  }
0x3c: {  	p2 =	seq.s32 s10, $0x1;
	s10 =	sld [smem:$0x3FBA]  }
0x3d: {  	_ =	shalt  }
0x3e: {  	_ =	shalt  }
0x3f: {  	_ =	shalt  }
0x40: {  	_ =	shalt  }
0x41: {  	_ =	shalt  }
0x42: {  	_ =	shalt  }
0x43: {  	_ =	shalt  }
0x44: {  	_ =	shalt  }
0x45: {  	_ =	shalt  }
0x46: {  	_ =	shalt  }
0x47: {  	_ =	shalt  }
0x48: {  	_ =	shalt  }
0x49: {  	_ =	shalt  }
0x4a: {  	_ =	shalt  }
0x4b: {  	_ =	shalt  }
0x4c: {  	_ =	shalt  }
0x4d: {  	_ =	shalt  }
0x4e: {  	_ =	shalt  }
0x4f: {  	_ =	shalt  }
0x50: {  	_ =	shalt  }
0x51: {  	_ =	shalt  }
0x52: {  	_ =	shalt  }
0x53: {  	_ =	shalt  }
0x54: {  	_ =	shalt  }
0x55: {  	_ =	shalt  }
0x56: {  	_ =	shalt  }
0x57: {  	_ =	shalt  }
0x58: {  	_ =	shalt  }
0x59: {  	_ =	shalt  }
0x5a: {  	_ =	shalt  }
0x5b: {  	_ =	shalt  }
0x5c: {  	_ =	shalt  }
0x5d: {  	_ =	shalt  }
0x5e: {  	_ =	shalt  }
0x5f: {  	_ =	shalt  }
0x60: {  	_ =	shalt  }
0x61: {  	_ =	shalt  }
0x62: {  	_ =	shalt  }
0x63: {  	_ =	shalt  }
0x64: {  	_ =	shalt  }
0x65: {  	_ =	shalt  }
0x66: {  	_ =	shalt  }
0x67: {  	_ =	shalt  }
0x68: {  	_ =	shalt  }
0x69: {  	_ =	shalt  }
0x6a: {  	_ =	shalt  }
0x6b: {  	_ =	shalt  }
0x6c: {  	_ =	shalt  }
0x6d: {  	_ =	shalt  }
0x6e: {  	_ =	shalt  }
0x6f: {  	_ =	shalt  }
0x70: {  	_ =	shalt  }
0x71: {  	_ =	shalt  }
0x72: {  	_ =	shalt  }
0x73: {  	_ =	shalt  }
0x74: {  	_ =	shalt  }
0x75: {  	_ =	shalt  }
0x76: {  	_ =	shalt  }
0x77: {  	_ =	shalt  }
0x78: {  	_ =	shalt  }
0x79: {  	_ =	shalt  }
0x7a: {  	_ =	shalt  }
0x7b: {  	_ =	shalt  }
0x7c: {  	_ =	shalt  }
0x7d: {  	_ =	shalt  }
0x7e: {  	_ =	shalt  }
0x7f: {  	_ =	shalt  }
0x80: {  	_ =	shalt  }
0x81: {  	_ =	shalt  }
0x82: {  	_ =	shalt  }
0x83: {  	_ =	shalt  }
0x84: {  	_ =	shalt  }
0x85: {  	_ =	shalt  }
0x86: {  	_ =	shalt  }
0x87: {  	_ =	shalt  }
.Lfunc_end0:
.L_simem_size_0:
called_computation_lowered:
.L_overlay_start_0:
0x88: {  	s2 =	sld [smem:$0x3FD9]  }
0x89: {  	s3 =	sld [smem:$0x3FFE];
	_ =	sdelay $0x1  }
0x8a: {  	s1 =	srdreg.scid  }
0x8b: {  	s0 =	sand.u32 $0x1, s1  }
0x8c: {  	s18 =	sshll.u32 s0, $0xA;
	s2 =	sadd.s32 s3, s2  }
0x8d: {  	s2 =	sadd.s32 s2, s18  }
0x8e: {  	[smem:$0x3FC6] =	sst s2  }
0x8f: {  	_ = 	snop  }
0x90: {  	s2 =	sld [smem:$0x3FC9]  }
0x91: {  	s19 =	sld [smem:$0x3FC8]  }
0x92: {  	s4 =	sld [smem:$0x3FD0];
	(tm) =	ssettm $0x1  }
0x93: {  	s5 =	sld [smem:$0x3FFB];
	_ =	sdelay $0x3  }
0x94: {  	_ =	strace s5  }
0x95: {  	s5 =	sld [smem:$0x3FFC];
	_ =	sdelay $0x3  }
0x96: {  	_ =	strace s5  }
0x97: {  	s5 =	sld [smem:$0x3FFD];
	_ =	sdelay $0x3  }
0x98: {  	_ =	strace s5  }
0x99: {  	_ =	strace $0x8FFFFFFF  }
0x9a: {  	s20 =	sld [smem:$0x3FDB];
	_ =	sdelay $0x1  }
0x9b: {  	s6 =	simm.s32 $_scs_section_size  }
0x9c: {  	s7 =	simm.s32 $_size__tile_overlayer_lowered;
	s8 =	simm.s32 $_tile_overlayer_lowered  }
0x9d: {  	s23 =	simm.s32 $0x1BFF;
	s22 =	sshll.u32 s8, $0x1;
	s5 =	sadd.s32 s6, s20  }
0x9e: {  	s9 =	simm.s32 $0x0;
	s21 =	sshll.u32 s7, $0x1;
	s7 =	sadd.s32 s22, s5  }
0x9f: {  	[timem:s9], [sflag:s23] =	dma.local [hbm:s7], s21  }
0xa0: {  	_ =	swait.ge [sflag:s23], s21  }
0xa1: {  	s6 =	ssub.s32 $0x0, s21;
	[sflag:s23] =	ssyncset.done $0x0  }
0xa2: {  	[sflag:s23] =	ssyncadd.s32 s6;
	_ =	sdelay $0x1  }
0xa3: {  	s24 =	simm.s32 $0x1B8B  }
0xa4: {  	_ =	swait.ge [sflag:s24], $0x1  }
0xa5: {  	[sflag:s24] =	ssyncset.done $0x0  }
0xa6: {  	s25 =	simm.s32 $0x1B8E;
	[sflag:s24] =	ssyncadd.s32 $0xFFFFFFFF  }
0xa7: {  	s26 =	simm.s32 $execute0_lowered;
	[smem:$0x3FD2] =	sst s25  }
0xa8: {  	s6 =	sshll.u32 s26, $0x1;
	_ =	strace $0x80000046;
	[dreg:$0x1] =	wrdreg $0xFFFFFFFF  }
0xa9: {  	s28 =	simm.s32 $_size_execute0_lowered;
	s5 =	sadd.s32 s5, s6;
	[dreg:$0x0] =	wrdreg $0x0  }
0xaa: {  	s6 =	sshll.u32 s28, $0x1;
	[dreg:$0x2] =	wrdreg s5  }
0xab: {  	[dreg:$0x3] =	wrdreg s6  }
0xac: {  	[dreg:$0x4] =	wrdreg $0xC0  }
0xad: {  	_ =	task [dreg:s9], $0x5FFFF  }
0xae: {  	[dreg:$0x1] =	wrdreg $0xFFFFFFFF  }
0xaf: {  	[dreg:$0x0] =	wrdreg $0x60  }
0xb0: {  	[dreg:$0x2] =	wrdreg s2  }
0xb1: {  	[dreg:$0x3] =	wrdreg s19  }
0xb2: {  	[dreg:$0x4] =	wrdreg s4  }
0xb3: {  	[dreg:$0x5] =	wrdreg $0x9  }
0xb4: {  	_ =	task.clear_ibuf [dreg:s9], $0x6FFFF;
	_ =	strace $0x90000046  }
0xb5: {  	s29 =	simm.s32 $0x9;
	_ =	strace $0x80000048  }
0xb6: {  	_ =	swait.ge [sflag:s29], $0x1  }
0xb7: {  	[sflag:s29] =	ssyncadd.s32 $0xFFFFFFFF  }
0xb8: {  	_ =	strace $0x90000048  }
0xb9: {  	_ =	sfence  }
0xba: {  	s30 =	sld [smem:$0x0];
	_ =	sdelay $0x2  }
0xbb: {  	s31 =	sshll.u32 s1, $0xD;
	s1 =	sshrl.u32 s1, $0x2  }
0xbc: {  	s3 =	sand.u32 $0x4000, s31;
	s1 =	sadd.s32 s1, s30  }
0xbd: {  	s0 =	sor.u32 s3, s0;
	s1 =	sshll.u32 s1, $0x11  }
0xbe: {  	s0 =	sor.u32 s1, s0  }
0xbf: {  	s0 =	sadd.s32 $0x8F2B, s0  }
0xc0: {  	[sflag:s0] =	ssyncadd.remote.s32 $0x1  }
0xc1: {  	_ =	sfence.sel $0xFFFF  }
0xc2: {  	[dreg:$0x0] =	wrdreg $0xFFFFFFFF;
	(pc) =	sbr.abs _section_cstart, $3  }
0xc3: {  	[dreg:$0x1] =	wrdreg $0xFFFFFFFF  }
0xc4: {  	_ =	task.clear_ibuf [dreg:s9], $0x2FFFF;
	_ =	strace $0x9FFFFFFF  }
0xc5: {  	(tm) =	ssettm $0x7FFFFFFF  }
tec
execute0_lowered:
.L_overlay_start_1:
0x0: {  	(tag) =	ssettag $0x1  }
0x1: {  	s1 =	rddreg [dreg:$0x0]  }
0x2: {  	s0 =	srdreg.scid;
	s2 =	rddreg [dreg:$0x1]  }
0x3: {  	s4 =	stileid.u32;
	s6 =	rddreg [dreg:$0x2]  }
0x4: {  	s0 =	sand.u32 $0x1, s0;
	s3 =	sshll.u32 s4, $0x8;
	s4 =	sshll.u32 s4, $0x11  }
0x5: {  	s9 =	sadd.s32 $0x200, s2;
	s5 =	sshll.u32 s0, $0x7;
	s3 =	sand.u32 $0x300, s3  }
0x6: {  	s7 =	sand.u32 $0x180000, s4;
	s4 =	simm.s32 $0x0;
	s0 =	ssub.s32 $0x2, s0  }
0x7: {  	s3 =	sor.u32 s5, s3;
	[smem:$0x7FF] =	sst s4;
	s16 =	sshrl.u32 s0, $0x1  }
0x8: {  	s5 =	sor.u32 s7, s3;
	_ =	strace $0x80000047;
	s0 =	ssub.s32 s0, s16  }
0x9: {  	[dreg:$0x5] =	wrdreg s9;
	s3 =	sshrl.u32 s5, $0x3;
	s0 =	smax.u32 s0, $0x1  }
0xa: {  	s8 =	sadd.s32 s1, s3;
	s3 =	sadd.s32 s6, s3;
	[dreg:$0xc] =	wrdreg s0  }
0xb: {  	[dreg:$0x9] =	wrdreg s3  }
0xc: {  	s17 =	sadd.s32 $0x200, s8;
	[dreg:$0x4] =	wrdreg s8  }
0xd: {  	s18 =	sadd.s32 $0x200080, s8;
	[dreg:$0x6] =	wrdreg s17  }
0xe: {  	s19 =	sadd.s32 $0x200100, s8;
	[dreg:$0x7] =	wrdreg s18  }
0xf: {  	s20 =	sadd.s32 $0x200180, s8;
	[dreg:$0x8] =	wrdreg s19  }
0x10: {  	s21 =	sadd.s32 $0x400080, s8;
	[dreg:$0xa] =	wrdreg s20  }
0x11: {  	s22 =	sadd.s32 $0x400100, s8;
	[dreg:$0xb] =	wrdreg s21  }
0x12: {  	s23 =	sadd.s32 $0x400180, s8;
	[dreg:$0xd] =	wrdreg s22  }
0x13: {  	s24 =	sadd.s32 $0x400000, s8;
	[dreg:$0xe] =	wrdreg s23  }
0x14: {  	s25 =	sadd.s32 $0x600000, s8;
	[dreg:$0xf] =	wrdreg s24  }
0x15: {  	s26 =	sadd.s32 $0x600080, s8;
	[dreg:$0x10] =	wrdreg s25  }
0x16: {  	s3 =	sadd.s32 $0x180, s8;
	[dreg:$0x11] =	wrdreg s26  }
0x17: {  	s6 =	sadd.s32 $0x600100, s8;
	[dreg:$0x12] =	wrdreg s3  }
0x18: {  	s7 =	sadd.s32 $0x600180, s8;
	[dreg:$0x13] =	wrdreg s6  }
0x19: {  	s9 =	sadd.s32 $0x80, s8;
	[dreg:$0x14] =	wrdreg s7  }
0x1a: {  	s10 =	sadd.s32 $0x200200, s8;
	[dreg:$0x15] =	wrdreg s9  }
0x1b: {  	s11 =	sadd.s32 $0x200280, s8;
	[dreg:$0x16] =	wrdreg s10  }
0x1c: {  	s12 =	sadd.s32 $0x100, s8;
	[dreg:$0x17] =	wrdreg s11  }
0x1d: {  	s28 =	simm.s32 $0x1DC00;
	s13 =	sadd.s32 $0x200300, s8;
	[dreg:$0x18] =	wrdreg s12  }
0x1e: {  	s29 =	simm.s32 $0x1E000;
	s14 =	sadd.s32 $0x200380, s8;
	[dreg:$0x19] =	wrdreg s13  }
0x1f: {  	s30 =	simm.s32 $0x1E400;
	s15 =	sadd.s32 $0x200000, s8;
	[dreg:$0x1a] =	wrdreg s14  }
0x20: {  	s31 =	simm.s32 $0x1E800;
	s16 =	sadd.s32 $0x400200, s8;
	[dreg:$0x1b] =	wrdreg s15  }
0x21: {  	s0 =	simm.s32 $0x1F000;
	[dreg:$0x1c] =	wrdreg s16;
	s17 =	sadd.s32 $0x400280, s8  }
0x22: {  	s18 =	sadd.s32 $0x300, s8;
	s19 =	sadd.s32 $0x400300, s8;
	[dreg:$0x1d] =	wrdreg s17  }
0x23: {  	s20 =	sadd.s32 $0x400380, s8;
	s21 =	sadd.s32 $0x280, s8;
	[dreg:$0x1e] =	wrdreg s18  }
0x24: {  	s22 =	sadd.s32 $0x600200, s8;
	s23 =	sadd.s32 $0x600280, s8;
	[dreg:$0x1f] =	wrdreg s19  }
0x25: {  	s24 =	sadd.s32 $0x380, s8;
	s25 =	sadd.s32 $0x600300, s8;
	[smem:$0x7F7] =	sst s20  }
0x26: {  	s26 =	sadd.s32 $0x600380, s8;
	s3 =	simm.s32 $0x1EC00;
	[smem:$0x7F8] =	sst s21  }
0x27: {  	s7 =	simm.s32 $0x1F400;
	s8 =	simm.s32 $0x1F800;
	[smem:$0x7F9] =	sst s22  }
.Ltmp0:
0x28: {  	s9 =	simm.s32 $0x1FC00;
	[smem:$0x7FA] =	sst s23;
	(pc) =	sbr.rel .LBB2_1-.Ltmp0, $4  }
0x29: {  	s10 =	simm.s32 $0x1;
	s11 =	simm.s32 $0x3;
	[smem:$0x7FB] =	sst s24  }
0x2a: {  	s12 =	simm.s32 $0x2;
	s13 =	simm.s32 $0x4;
	[smem:$0x7FC] =	sst s25  }
0x2b: {  	s15 =	simm.s32 $0x0;
	[smem:$0x7FD] =	sst s26;
	s17 =	simm.s32 $0x80  }
0x2c: {  	v0 =	vimm.f32 $0.0e+00;
	s18 =	simm.s32 $0x200000;
	s25 =	simm.s32 $0x1000;
	s26 =	simm.s32 $0x80000  }
.LBB2_10:
0x2d: {  	s6 =	rddreg [dreg:$0x9];
	s14 =	simm.s32 $0x400;
	s23 =	simm.s32 $0x5  }
0x2e: {  	[hbm4b:s6+s17] =	stream.strided.scatter [tilespmem:s4], [sflag:$0x5], $0x10000, s14, s17, $0x38;
	v63 =	vld [tilespmem:$0x0]  }
0x2f: {  	_ =	swait.ge [sflag:s23], $0x10000  }
0x30: {  	s15 =	sld [smem:$0x7F6];
	_ =	sdelay $0x2  }
0x31: {  	s24 =	rddreg [dreg:$0xc];
	s15 =	sadd.s32 $0x1, s15  }
0x32: {  	p0 =	sne.s32 s15, s24  }
.Ltmp1:
0x33: {  	_ = 	snop;
	(pc) =	sbr.rel @!p0 .LBB2_11-.Ltmp1, $3  }
0x34: {  	_ =	sdelay $0x1  }
0x35: {  	[sflag:s23] =	ssyncset.done $0x0  }
0x36: {  	[sflag:s23] =	ssyncadd.s32 $0xFFFF0000  }
.LBB2_1:
0x37: {  	[smem:$0x7F6] =	sst s15;
	s14 =	simm.s32 $0x1000  }
0x38: {  	s15 =	simm.s32 $0x80000;
	s6 =	simm.s32 $0x10000;
	s22 =	rddreg [dreg:$0x4]  }
0x39: {  	[tilespmem:s6], [sflag:$0x1] =	stream.strided.gather [hbm4b:s2+s14], $0x4000, s15, s14, $0x38;
	v63 =	vld [tilespmem:$0x0]  }
0x3a: {  	s16 =	simm.s32 $0x18000;
	s23 =	rddreg [dreg:$0x15]  }
0x3b: {  	[tilespmem:s16], [sflag:$0x3] =	stream.strided.gather [hbm4b:s22+s17], $0x400, s18, s17, $0x38;
	v63 =	vld [tilespmem:$0x0]  }
0x3c: {  	s24 =	simm.s32 $0x18400;
	s19 =	rddreg [dreg:$0x18]  }
0x3d: {  	[tilespmem:s24], [sflag:$0x3] =	stream.strided.gather [hbm4b:s23+s17], $0x400, s18, s17, $0x38;
	v63 =	vld [tilespmem:$0x0]  }
0x3e: {  	s20 =	simm.s32 $0x18800;
	s21 =	rddreg [dreg:$0x12]  }
0x3f: {  	[tilespmem:s20], [sflag:$0x3] =	stream.strided.gather [hbm4b:s19+s17], $0x400, s18, s17, $0x38;
	v63 =	vld [tilespmem:$0x0]  }
0x40: {  	s22 =	simm.s32 $0x18C00;
	s23 =	rddreg [dreg:$0x1b]  }
0x41: {  	[tilespmem:s22], [sflag:$0x3] =	stream.strided.gather [hbm4b:s21+s17], $0x400, s18, s17, $0x38;
	v63 =	vld [tilespmem:$0x0]  }
0x42: {  	s24 =	simm.s32 $0x19000;
	s19 =	rddreg [dreg:$0x7]  }
0x43: {  	[tilespmem:s24], [sflag:$0x3] =	stream.strided.gather [hbm4b:s23+s17], $0x400, s18, s17, $0x38;
	v63 =	vld [tilespmem:$0x0]  }
0x44: {  	s20 =	simm.s32 $0x19400;
	s21 =	rddreg [dreg:$0x8]  }
0x45: {  	[tilespmem:s20], [sflag:$0x3] =	stream.strided.gather [hbm4b:s19+s17], $0x400, s18, s17, $0x38;
	v63 =	vld [tilespmem:$0x0]  }
0x46: {  	s22 =	simm.s32 $0x19800;
	s23 =	rddreg [dreg:$0xa]  }
0x47: {  	[tilespmem:s22], [sflag:$0x3] =	stream.strided.gather [hbm4b:s21+s17], $0x400, s18, s17, $0x38;
	v63 =	vld [tilespmem:$0x0]  }
0x48: {  	s24 =	simm.s32 $0x19C00;
	s19 =	rddreg [dreg:$0xf]  }
0x49: {  	[tilespmem:s24], [sflag:$0x3] =	stream.strided.gather [hbm4b:s23+s17], $0x400, s18, s17, $0x38;
	v63 =	vld [tilespmem:$0x0]  }
0x4a: {  	s20 =	simm.s32 $0x1A000;
	s21 =	rddreg [dreg:$0xb]  }
0x4b: {  	[tilespmem:s20], [sflag:$0x3] =	stream.strided.gather [hbm4b:s19+s17], $0x400, s18, s17, $0x38;
	v63 =	vld [tilespmem:$0x0]  }
0x4c: {  	s22 =	simm.s32 $0x1A400;
	s23 =	rddreg [dreg:$0xd]  }
0x4d: {  	[tilespmem:s22], [sflag:$0x3] =	stream.strided.gather [hbm4b:s21+s17], $0x400, s18, s17, $0x38;
	v63 =	vld [tilespmem:$0x0]  }
0x4e: {  	s24 =	simm.s32 $0x1A800;
	s19 =	rddreg [dreg:$0xe]  }
0x4f: {  	[tilespmem:s24], [sflag:$0x3] =	stream.strided.gather [hbm4b:s23+s17], $0x400, s18, s17, $0x38;
	v63 =	vld [tilespmem:$0x0]  }
0x50: {  	s20 =	simm.s32 $0x1AC00;
	s21 =	rddreg [dreg:$0x10]  }
0x51: {  	[tilespmem:s20], [sflag:$0x3] =	stream.strided.gather [hbm4b:s19+s17], $0x400, s18, s17, $0x38;
	v63 =	vld [tilespmem:$0x0]  }
0x52: {  	s22 =	simm.s32 $0x1B000;
	s23 =	rddreg [dreg:$0x11]  }
0x53: {  	[tilespmem:s22], [sflag:$0x3] =	stream.strided.gather [hbm4b:s21+s17], $0x180, s18, s17, $0x38;
	v63 =	vld [tilespmem:$0x0]  }
0x54: {  	s24 =	simm.s32 $0x1B400;
	s19 =	rddreg [dreg:$0x13]  }
0x55: {  	[tilespmem:s24], [sflag:$0x3] =	stream.strided.gather [hbm4b:s23+s17], $0x180, s18, s17, $0x38;
	v63 =	vld [tilespmem:$0x0]  }
0x56: {  	s20 =	simm.s32 $0x1B800;
	s21 =	rddreg [dreg:$0x14]  }
0x57: {  	[tilespmem:s20], [sflag:$0x3] =	stream.strided.gather [hbm4b:s19+s17], $0x180, s18, s17, $0x38;
	v63 =	vld [tilespmem:$0x0]  }
0x58: {  	s22 =	simm.s32 $0x1BC00;
	s23 =	rddreg [dreg:$0x5]  }
0x59: {  	[tilespmem:s22], [sflag:$0x3] =	stream.strided.gather [hbm4b:s21+s17], $0x180, s18, s17, $0x38;
	v63 =	vld [tilespmem:$0x0]  }
0x5a: {  	s24 =	simm.s32 $0x14000;
	s19 =	rddreg [dreg:$0x6]  }
0x5b: {  	[tilespmem:s24], [sflag:$0x2] =	stream.strided.gather [hbm4b:s23+s14], $0x4000, s15, s14, $0x38;
	v63 =	vld [tilespmem:$0x0]  }
0x5c: {  	s20 =	simm.s32 $0x1C000;
	s21 =	sld [smem:$0x7F8]  }
0x5d: {  	[tilespmem:s20], [sflag:$0x4] =	stream.strided.gather [hbm4b:s19+s17], $0x400, s18, s17, $0x38;
	v63 =	vld [tilespmem:$0x0]  }
0x5e: {  	s22 =	simm.s32 $0x1C400;
	s23 =	rddreg [dreg:$0x1e]  }
0x5f: {  	[tilespmem:s22], [sflag:$0x4] =	stream.strided.gather [hbm4b:s21+s17], $0x400, s18, s17, $0x38;
	v63 =	vld [tilespmem:$0x0]  }
0x60: {  	s24 =	simm.s32 $0x1C800;
	s15 =	sld [smem:$0x7FB]  }
0x61: {  	[tilespmem:s24], [sflag:$0x4] =	stream.strided.gather [hbm4b:s23+s17], $0x400, s18, s17, $0x38;
	v63 =	vld [tilespmem:$0x0]  }
0x62: {  	s16 =	simm.s32 $0x1CC00;
	s14 =	rddreg [dreg:$0x1a]  }
0x63: {  	[tilespmem:s16], [sflag:$0x4] =	stream.strided.gather [hbm4b:s15+s17], $0x400, s18, s17, $0x38;
	v63 =	vld [tilespmem:$0x0]  }
0x64: {  	s19 =	rddreg [dreg:$0x16];
	s20 =	simm.s32 $0x1D000  }
0x65: {  	[tilespmem:s20], [sflag:$0x4] =	stream.strided.gather [hbm4b:s19+s17], $0x400, s18, s17, $0x38;
	v63 =	vld [tilespmem:$0x0]  }
0x66: {  	s21 =	rddreg [dreg:$0x17];
	s22 =	simm.s32 $0x1D400  }
0x67: {  	[tilespmem:s22], [sflag:$0x4] =	stream.strided.gather [hbm4b:s21+s17], $0x400, s18, s17, $0x38;
	v63 =	vld [tilespmem:$0x0]  }
0x68: {  	s23 =	rddreg [dreg:$0x19];
	s24 =	simm.s32 $0x1D800  }
0x69: {  	[tilespmem:s24], [sflag:$0x4] =	stream.strided.gather [hbm4b:s23+s17], $0x400, s18, s17, $0x38;
	v63 =	vld [tilespmem:$0x0]  }
0x6a: {  	s15 =	rddreg [dreg:$0x1c]  }
0x6b: {  	[tilespmem:s28], [sflag:$0x4] =	stream.strided.gather [hbm4b:s14+s17], $0x400, s18, s17, $0x38;
	v63 =	vld [tilespmem:$0x0]  }
0x6c: {  	s16 =	rddreg [dreg:$0x1d]  }
0x6d: {  	[tilespmem:s29], [sflag:$0x4] =	stream.strided.gather [hbm4b:s15+s17], $0x400, s18, s17, $0x38;
	v63 =	vld [tilespmem:$0x0]  }
0x6e: {  	s19 =	rddreg [dreg:$0x1f]  }
0x6f: {  	[tilespmem:s30], [sflag:$0x4] =	stream.strided.gather [hbm4b:s16+s17], $0x400, s18, s17, $0x38;
	v63 =	vld [tilespmem:$0x0]  }
0x70: {  	s20 =	sld [smem:$0x7F7]  }
0x71: {  	[tilespmem:s31], [sflag:$0x4] =	stream.strided.gather [hbm4b:s19+s17], $0x400, s18, s17, $0x38;
	v63 =	vld [tilespmem:$0x0]  }
0x72: {  	s21 =	sld [smem:$0x7F9]  }
0x73: {  	[tilespmem:s3], [sflag:$0x4] =	stream.strided.gather [hbm4b:s20+s17], $0x400, s18, s17, $0x38;
	v63 =	vld [tilespmem:$0x0]  }
0x74: {  	s22 =	sld [smem:$0x7FA]  }
0x75: {  	[tilespmem:s0], [sflag:$0x4] =	stream.strided.gather [hbm4b:s21+s17], $0x180, s18, s17, $0x38;
	v63 =	vld [tilespmem:$0x0]  }
0x76: {  	s23 =	sld [smem:$0x7FC]  }
0x77: {  	[tilespmem:s7], [sflag:$0x4] =	stream.strided.gather [hbm4b:s22+s17], $0x180, s18, s17, $0x38;
	v63 =	vld [tilespmem:$0x0]  }
0x78: {  	s24 =	sld [smem:$0x7FD]  }
0x79: {  	[tilespmem:s8], [sflag:$0x4] =	stream.strided.gather [hbm4b:s23+s17], $0x180, s18, s17, $0x38;
	v63 =	vld [tilespmem:$0x0]  }
0x7a: {  	s6 =	simm.s32 $0x40;
	s14 =	simm.s32 $0x0  }
0x7b: {  	[tilespmem:s9], [sflag:$0x4] =	stream.strided.gather [hbm4b:s24+s17], $0x180, s18, s17, $0x38;
	v63 =	vld [tilespmem:$0x0]  }
.LBB2_2:
0x7c: {  	p0 =	sne.s32 s6, $0x3FFC0;
	[tilespmem:s14+$0x0] =	vst v0;
	s14 =	smov.u32 s6;
	s6 =	sadd.s32 $0x40, s6  }
.Ltmp2:
0x7d: {  	(pc) =	sbr.rel @p0 .LBB2_2-.Ltmp2, $2  }
0x7e: {  	_ =	sdelay $0x2  }
0x7f: {  	s14 =	sshra.s32 s14, $0x2  }
0x80: {  	[tilespmem:s14+$0x0] =	vst v0;
	s6 =	simm.s32 $0x0;
	s14 =	simm.s32 $0x0  }
.LBB2_4:
0x81: {  	_ =	swait.ge [sflag:s10], $0x4000  }
0x82: {  	[sflag:s10] =	ssyncset.done $0x0  }
0x83: {  	[sflag:s10] =	ssyncadd.s32 $0xFFFFC000  }
0x84: {  	_ =	swait.ge [sflag:s11], $0x3600  }
0x85: {  	s15 =	sand.u32 $0x70, s6;
	s19 =	sand.u32 $0xC00, s6;
	[sflag:s11] =	ssyncset.done $0x0  }
0x86: {  	s15 =	sor.u32 s15, s19;
	[sflag:s11] =	ssyncadd.s32 $0xFFFFCA00  }
0x87: {  	v1 =	vld [tilespmem:s15+$0x18080]  }
0x88: {  	v2 =	vld [tilespmem:s15+$0x19000]  }
0x89: {  	v3 =	vld [tilespmem:s15+$0x18280]  }
0x8a: {  	s21 =	sand.u32 $0xFFFFFC00, s6;
	v4 =	vld [tilespmem:s15+$0x10280]  }
0x8b: {  	s19 =	sadd.s32 $0x0, s21;
	v5 =	vld [tilespmem:s15+$0x18000]  }
0x8c: {  	s20 =	sor.u32 $0x180, s19;
	v6 =	vld [tilespmem:s15+$0x18100]  }
0x8d: {  	v7 =	vld [tilespmem:s20+$0x18000]  }
0x8e: {  	v8 =	vld [tilespmem:s15+$0x10200]  }
0x8f: {  	v9 =	vld [tilespmem:s15+$0x10080]  }
0x90: {  	v10 =	vld [tilespmem:s15+$0x10100]  }
0x91: {  	v11 =	vld [tilespmem:s15+$0x10000]  }
0x92: {  	v12 =	vld [tilespmem:s20+$0x10000]  }
0x93: {  	v13 =	vld [tilespmem:s15+$0x11000]  }
0x94: {  	s22 =	sor.u32 s6, s6;
	v14 =	vld [tilespmem:s15+$0x10300]  }
0x95: {  	s21 =	sor.u32 $0x380, s22;
	v15 =	vld [tilespmem:s15+$0x18200]  }
0x96: {  	v16 =	vld [tilespmem:s21+$0x18000]  }
0x97: {  	v17 =	vld [tilespmem:s15+$0x18300]  }
0x98: {  	v18 =	vld [tilespmem:s21+$0x10000]  }
0x99: {  	[tilespmem:v11+s4+$0x0] =	vst.idx.add.f32.msk $0xffff, v5  }
0x9a: {  	[tilespmem:v9+s4+$0x0] =	vst.idx.add.f32.msk $0xffff, v1  }
0x9b: {  	[tilespmem:v10+s4+$0x0] =	vst.idx.add.f32.msk $0xffff, v6  }
0x9c: {  	[tilespmem:v12+s4+$0x0] =	vst.idx.add.f32.msk $0xffff, v7  }
0x9d: {  	[tilespmem:v8+s4+$0x0] =	vst.idx.add.f32.msk $0xffff, v15  }
0x9e: {  	[tilespmem:v4+s4+$0x0] =	vst.idx.add.f32.msk $0xffff, v3  }
0x9f: {  	[tilespmem:v14+s4+$0x0] =	vst.idx.add.f32.msk $0xffff, v17  }
0xa0: {  	[tilespmem:v18+s4+$0x0] =	vst.idx.add.f32.msk $0xffff, v16  }
0xa1: {  	[tilespmem:v13+s4+$0x0] =	vst.idx.add.f32.msk $0xffff, v2  }
0xa2: {  	v1 =	vld [tilespmem:s15+$0x1A080]  }
0xa3: {  	s23 =	sor.u32 $0x1180, s19;
	v2 =	vld [tilespmem:s15+$0x11300]  }
0xa4: {  	v3 =	vld [tilespmem:s23+$0x18000]  }
0xa5: {  	v4 =	vld [tilespmem:s15+$0x11280]  }
0xa6: {  	v5 =	vld [tilespmem:s15+$0x11200]  }
0xa7: {  	v6 =	vld [tilespmem:s15+$0x19200]  }
0xa8: {  	v7 =	vld [tilespmem:s15+$0x19100]  }
0xa9: {  	v8 =	vld [tilespmem:s23+$0x10000]  }
0xaa: {  	v9 =	vld [tilespmem:s15+$0x19080]  }
0xab: {  	v10 =	vld [tilespmem:s15+$0x11100]  }
0xac: {  	v11 =	vld [tilespmem:s15+$0x11080]  }
0xad: {  	s24 =	sor.u32 $0x1380, s22;
	v12 =	vld [tilespmem:s15+$0x1A000]  }
0xae: {  	v13 =	vld [tilespmem:s24+$0x10000]  }
0xaf: {  	v14 =	vld [tilespmem:s15+$0x12000]  }
0xb0: {  	v15 =	vld [tilespmem:s15+$0x12080]  }
0xb1: {  	v16 =	vld [tilespmem:s15+$0x19300]  }
0xb2: {  	v17 =	vld [tilespmem:s24+$0x18000]  }
0xb3: {  	v18 =	vld [tilespmem:s15+$0x19280]  }
0xb4: {  	[tilespmem:v11+s4+$0x0] =	vst.idx.add.f32.msk $0xffff, v9  }
0xb5: {  	[tilespmem:v10+s4+$0x0] =	vst.idx.add.f32.msk $0xffff, v7  }
0xb6: {  	[tilespmem:v8+s4+$0x0] =	vst.idx.add.f32.msk $0xffff, v3  }
0xb7: {  	[tilespmem:v5+s4+$0x0] =	vst.idx.add.f32.msk $0xffff, v6  }
0xb8: {  	[tilespmem:v4+s4+$0x0] =	vst.idx.add.f32.msk $0xffff, v18  }
0xb9: {  	[tilespmem:v2+s4+$0x0] =	vst.idx.add.f32.msk $0xffff, v16  }
0xba: {  	[tilespmem:v13+s4+$0x0] =	vst.idx.add.f32.msk $0xffff, v17  }
0xbb: {  	[tilespmem:v14+s4+$0x0] =	vst.idx.add.f32.msk $0xffff, v12  }
0xbc: {  	[tilespmem:v15+s4+$0x0] =	vst.idx.add.f32.msk $0xffff, v1  }
0xbd: {  	s19 =	sor.u32 $0x2180, s19;
	v1 =	vld [tilespmem:s15+$0x1B100]  }
0xbe: {  	s20 =	sor.u32 $0x2380, s22;
	v5 =	vld [tilespmem:s19+$0x18000]  }
0xbf: {  	v6 =	vld [tilespmem:s20+$0x18000]  }
0xc0: {  	v7 =	vld [tilespmem:s15+$0x12300]  }
0xc1: {  	v8 =	vld [tilespmem:s15+$0x13000]  }
0xc2: {  	v9 =	vld [tilespmem:s15+$0x1A200]  }
0xc3: {  	v10 =	vld [tilespmem:s15+$0x1A100]  }
0xc4: {  	v11 =	vld [tilespmem:s19+$0x10000]  }
0xc5: {  	v12 =	vld [tilespmem:s15+$0x12280]  }
0xc6: {  	v13 =	vld [tilespmem:s15+$0x12200]  }
0xc7: {  	v14 =	vld [tilespmem:s15+$0x12100]  }
0xc8: {  	v15 =	vld [tilespmem:s20+$0x10000]  }
0xc9: {  	v16 =	vld [tilespmem:s15+$0x1A280]  }
0xca: {  	v3 =	vld [tilespmem:s15+$0x13080]  }
0xcb: {  	v2 =	vld [tilespmem:s15+$0x13100]  }
0xcc: {  	v17 =	vld [tilespmem:s15+$0x1B000]  }
0xcd: {  	v4 =	vld [tilespmem:s15+$0x1B080]  }
0xce: {  	v18 =	vld [tilespmem:s15+$0x1A300]  }
0xcf: {  	[tilespmem:v14+s4+$0x0] =	vst.idx.add.f32.msk $0xffff, v10  }
0xd0: {  	[tilespmem:v11+s4+$0x0] =	vst.idx.add.f32.msk $0xffff, v5  }
0xd1: {  	[tilespmem:v13+s4+$0x0] =	vst.idx.add.f32.msk $0xffff, v9  }
0xd2: {  	[tilespmem:v12+s4+$0x0] =	vst.idx.add.f32.msk $0xffff, v16  }
0xd3: {  	[tilespmem:v7+s4+$0x0] =	vst.idx.add.f32.msk $0xffff, v18  }
0xd4: {  	[tilespmem:v15+s4+$0x0] =	vst.idx.add.f32.msk $0xffff, v6  }
0xd5: {  	s15 =	simm.s32 $0x10;
	s19 =	simm.s32 $0x80;
	[tilespmem:v8+s4+$0x0] =	vst.idx.add.f32.msk $0xffff, v17  }
.LBB2_5:
0xd6: {  	s21 =	sand.u32 $0x70, s15  }
0xd7: {  	s22 =	sand.u32 $0xC00, s19;
	[tilespmem:v3+s4+$0x0] =	vst.idx.add.f32.msk $0xffff, v4;
	s23 =	smov.u32 s15;
	s20 =	sadd.s32 $0x10, s15  }
0xd8: {  	p0 =	sne.s32 s15, $0x1F0;
	s21 =	sor.u32 s21, s22;
	[tilespmem:v2+s4+$0x0] =	vst.idx.add.f32.msk $0xffff, v1  }
0xd9: {  	v1 =	vld [tilespmem:s21+$0x18080]  }
0xda: {  	s15 =	sand.u32 $0xFFFFFC00, s19;
	s22 =	sor.u32 s23, s19;
	v2 =	vld [tilespmem:s21+$0x19000]  }
0xdb: {  	s15 =	sadd.s32 s15, s23;
	s23 =	sor.u32 $0x380, s22;
	v3 =	vld [tilespmem:s21+$0x18280]  }
0xdc: {  	s16 =	sor.u32 $0x180, s15;
	v4 =	vld [tilespmem:s21+$0x10280]  }
0xdd: {  	v5 =	vld [tilespmem:s21+$0x18000]  }
0xde: {  	v6 =	vld [tilespmem:s21+$0x18100]  }
0xdf: {  	v7 =	vld [tilespmem:s16+$0x18000]  }
0xe0: {  	v8 =	vld [tilespmem:s21+$0x10200]  }
0xe1: {  	v9 =	vld [tilespmem:s21+$0x10080]  }
0xe2: {  	v10 =	vld [tilespmem:s21+$0x10100]  }
0xe3: {  	v11 =	vld [tilespmem:s21+$0x10000]  }
0xe4: {  	v12 =	vld [tilespmem:s16+$0x10000]  }
0xe5: {  	v13 =	vld [tilespmem:s21+$0x11000]  }
0xe6: {  	v14 =	vld [tilespmem:s21+$0x10300]  }
0xe7: {  	v15 =	vld [tilespmem:s21+$0x18200]  }
0xe8: {  	v16 =	vld [tilespmem:s23+$0x18000]  }
0xe9: {  	v17 =	vld [tilespmem:s21+$0x18300]  }
0xea: {  	v18 =	vld [tilespmem:s23+$0x10000]  }
0xeb: {  	[tilespmem:v11+s4+$0x0] =	vst.idx.add.f32.msk $0xffff, v5  }
0xec: {  	[tilespmem:v9+s4+$0x0] =	vst.idx.add.f32.msk $0xffff, v1  }
0xed: {  	[tilespmem:v10+s4+$0x0] =	vst.idx.add.f32.msk $0xffff, v6  }
0xee: {  	[tilespmem:v12+s4+$0x0] =	vst.idx.add.f32.msk $0xffff, v7  }
0xef: {  	[tilespmem:v8+s4+$0x0] =	vst.idx.add.f32.msk $0xffff, v15  }
0xf0: {  	[tilespmem:v4+s4+$0x0] =	vst.idx.add.f32.msk $0xffff, v3  }
0xf1: {  	[tilespmem:v14+s4+$0x0] =	vst.idx.add.f32.msk $0xffff, v17  }
0xf2: {  	[tilespmem:v18+s4+$0x0] =	vst.idx.add.f32.msk $0xffff, v16  }
0xf3: {  	[tilespmem:v13+s4+$0x0] =	vst.idx.add.f32.msk $0xffff, v2  }
0xf4: {  	v1 =	vld [tilespmem:s21+$0x1A080]  }
0xf5: {  	s16 =	sor.u32 $0x1180, s15;
	v2 =	vld [tilespmem:s21+$0x11300]  }
0xf6: {  	v3 =	vld [tilespmem:s16+$0x18000]  }
0xf7: {  	v4 =	vld [tilespmem:s21+$0x11280]  }
0xf8: {  	v5 =	vld [tilespmem:s21+$0x11200]  }
0xf9: {  	v6 =	vld [tilespmem:s21+$0x19200]  }
0xfa: {  	v7 =	vld [tilespmem:s21+$0x19100]  }
0xfb: {  	v8 =	vld [tilespmem:s16+$0x10000]  }
0xfc: {  	v9 =	vld [tilespmem:s21+$0x19080]  }
0xfd: {  	v10 =	vld [tilespmem:s21+$0x11100]  }
0xfe: {  	v11 =	vld [tilespmem:s21+$0x11080]  }
0xff: {  	s16 =	sor.u32 $0x1380, s22;
	v12 =	vld [tilespmem:s21+$0x1A000]  }
0x100: {  	v13 =	vld [tilespmem:s16+$0x10000]  }
0x101: {  	v14 =	vld [tilespmem:s21+$0x12000]  }
0x102: {  	v15 =	vld [tilespmem:s21+$0x12080]  }
0x103: {  	v16 =	vld [tilespmem:s21+$0x19300]  }
0x104: {  	v17 =	vld [tilespmem:s16+$0x18000]  }
0x105: {  	v18 =	vld [tilespmem:s21+$0x19280]  }
0x106: {  	[tilespmem:v11+s4+$0x0] =	vst.idx.add.f32.msk $0xffff, v9  }
0x107: {  	[tilespmem:v10+s4+$0x0] =	vst.idx.add.f32.msk $0xffff, v7  }
0x108: {  	[tilespmem:v8+s4+$0x0] =	vst.idx.add.f32.msk $0xffff, v3  }
0x109: {  	[tilespmem:v5+s4+$0x0] =	vst.idx.add.f32.msk $0xffff, v6  }
0x10a: {  	[tilespmem:v4+s4+$0x0] =	vst.idx.add.f32.msk $0xffff, v18  }
0x10b: {  	[tilespmem:v2+s4+$0x0] =	vst.idx.add.f32.msk $0xffff, v16  }
0x10c: {  	[tilespmem:v13+s4+$0x0] =	vst.idx.add.f32.msk $0xffff, v17  }
0x10d: {  	[tilespmem:v14+s4+$0x0] =	vst.idx.add.f32.msk $0xffff, v12  }
0x10e: {  	[tilespmem:v15+s4+$0x0] =	vst.idx.add.f32.msk $0xffff, v1  }
0x10f: {  	s15 =	sor.u32 $0x2180, s15;
	v1 =	vld [tilespmem:s21+$0x1B100]  }
0x110: {  	s16 =	sor.u32 $0x2380, s22;
	v5 =	vld [tilespmem:s15+$0x18000]  }
0x111: {  	v6 =	vld [tilespmem:s16+$0x18000]  }
0x112: {  	v7 =	vld [tilespmem:s21+$0x12300]  }
0x113: {  	v8 =	vld [tilespmem:s21+$0x13000]  }
0x114: {  	v9 =	vld [tilespmem:s21+$0x1A200]  }
0x115: {  	v10 =	vld [tilespmem:s21+$0x1A100]  }
0x116: {  	v11 =	vld [tilespmem:s15+$0x10000]  }
0x117: {  	v12 =	vld [tilespmem:s21+$0x12280]  }
0x118: {  	v13 =	vld [tilespmem:s21+$0x12200]  }
0x119: {  	v14 =	vld [tilespmem:s21+$0x12100]  }
0x11a: {  	v15 =	vld [tilespmem:s16+$0x10000]  }
0x11b: {  	v16 =	vld [tilespmem:s21+$0x1A280]  }
0x11c: {  	v3 =	vld [tilespmem:s21+$0x13080]  }
0x11d: {  	v2 =	vld [tilespmem:s21+$0x13100]  }
0x11e: {  	v17 =	vld [tilespmem:s21+$0x1B000]  }
0x11f: {  	v4 =	vld [tilespmem:s21+$0x1B080]  }
0x120: {  	v18 =	vld [tilespmem:s21+$0x1A300]  }
0x121: {  	[tilespmem:v14+s4+$0x0] =	vst.idx.add.f32.msk $0xffff, v10  }
0x122: {  	[tilespmem:v11+s4+$0x0] =	vst.idx.add.f32.msk $0xffff, v5  }
.Ltmp3:
0x123: {  	[tilespmem:v13+s4+$0x0] =	vst.idx.add.f32.msk $0xffff, v9;
	(pc) =	sbr.rel @p0 .LBB2_5-.Ltmp3, $4  }
0x124: {  	[tilespmem:v12+s4+$0x0] =	vst.idx.add.f32.msk $0xffff, v16  }
0x125: {  	[tilespmem:v7+s4+$0x0] =	vst.idx.add.f32.msk $0xffff, v18  }
0x126: {  	[tilespmem:v15+s4+$0x0] =	vst.idx.add.f32.msk $0xffff, v6  }
0x127: {  	s19 =	sadd.s32 $0x80, s19;
	s15 =	smov.u32 s20;
	[tilespmem:v8+s4+$0x0] =	vst.idx.add.f32.msk $0xffff, v17  }
0x128: {  	_ =	sdelay $0x1  }
0x129: {  	s19 =	sshll.u32 s14, $0xD;
	p0 =	seq.s32 s14, $0x3F  }
0x12a: {  	s15 =	sadd.s32 @!p0 $0x2000, s19;
	s20 =	simm.s32 @!p0 $0x1000  }
0x12b: {  	[tilespmem:v3+s4+$0x0] =	vst.idx.add.f32.msk $0xffff, v4;
	s21 =	simm.s32 @!p0 $0x80000;
	s16 =	sshrl.u32 @!p0 s15, $0x3;
	s15 =	sadd.s32 @!p0 s5, s15  }
0x12c: {  	[tilespmem:v2+s4+$0x0] =	vst.idx.add.f32.msk $0xffff, v1;
	s22 =	simm.s32 @!p0 $0x10000;
	s16 =	sadd.s32 @!p0 s2, s16;
	s15 =	sshrl.u32 @!p0 s15, $0x3  }
0x12d: {  	[tilespmem:s22], [sflag:$0x1] =	stream.strided.gather @!p0 [hbm4b:s16+s20], $0x4000, s21, s20, $0x38;
	v63 =	vld [tilespmem:$0x0]  }
0x12e: {  	s15 =	sadd.s32 @!p0 s1, s15  }
0x12f: {  	s16 =	simm.s32 @!p0 $0x80;
	s20 =	simm.s32 @!p0 $0x200000;
	s21 =	simm.s32 @!p0 $0x18000  }
0x130: {  	[tilespmem:s21], [sflag:$0x3] =	stream.strided.gather @!p0 [hbm4b:s15+s16], $0x400, s20, s16, $0x38;
	v63 =	vld [tilespmem:$0x0]  }
0x131: {  	s22 =	simm.s32 @!p0 $0x18400;
	s21 =	sadd.s32 @!p0 $0x80, s15  }
0x132: {  	[tilespmem:s22], [sflag:$0x3] =	stream.strided.gather @!p0 [hbm4b:s21+s16], $0x400, s20, s16, $0x38;
	v63 =	vld [tilespmem:$0x0]  }
0x133: {  	s21 =	sadd.s32 @!p0 $0x100, s15;
	s22 =	simm.s32 @!p0 $0x18800  }
0x134: {  	[tilespmem:s22], [sflag:$0x3] =	stream.strided.gather @!p0 [hbm4b:s21+s16], $0x400, s20, s16, $0x38;
	v63 =	vld [tilespmem:$0x0]  }
0x135: {  	s21 =	sadd.s32 @!p0 $0x180, s15;
	s22 =	simm.s32 @!p0 $0x18C00  }
0x136: {  	[tilespmem:s22], [sflag:$0x3] =	stream.strided.gather @!p0 [hbm4b:s21+s16], $0x400, s20, s16, $0x38;
	v63 =	vld [tilespmem:$0x0]  }
0x137: {  	s21 =	sadd.s32 @!p0 $0x200000, s15;
	s22 =	simm.s32 @!p0 $0x19000  }
0x138: {  	[tilespmem:s22], [sflag:$0x3] =	stream.strided.gather @!p0 [hbm4b:s21+s16], $0x400, s20, s16, $0x38;
	v63 =	vld [tilespmem:$0x0]  }
0x139: {  	s23 =	simm.s32 @!p0 $0x19400;
	s22 =	sadd.s32 @!p0 $0x80, s21  }
0x13a: {  	[tilespmem:s23], [sflag:$0x3] =	stream.strided.gather @!p0 [hbm4b:s22+s16], $0x400, s20, s16, $0x38;
	v63 =	vld [tilespmem:$0x0]  }
0x13b: {  	s22 =	sadd.s32 @!p0 $0x100, s21;
	s23 =	simm.s32 @!p0 $0x19800  }
0x13c: {  	[tilespmem:s23], [sflag:$0x3] =	stream.strided.gather @!p0 [hbm4b:s22+s16], $0x400, s20, s16, $0x38;
	v63 =	vld [tilespmem:$0x0]  }
0x13d: {  	s21 =	sadd.s32 @!p0 $0x180, s21;
	s22 =	simm.s32 @!p0 $0x19C00  }
0x13e: {  	[tilespmem:s22], [sflag:$0x3] =	stream.strided.gather @!p0 [hbm4b:s21+s16], $0x400, s20, s16, $0x38;
	v63 =	vld [tilespmem:$0x0]  }
0x13f: {  	s21 =	sadd.s32 @!p0 $0x400000, s15;
	s22 =	simm.s32 @!p0 $0x1A000  }
0x140: {  	[tilespmem:s22], [sflag:$0x3] =	stream.strided.gather @!p0 [hbm4b:s21+s16], $0x400, s20, s16, $0x38;
	v63 =	vld [tilespmem:$0x0]  }
0x141: {  	s23 =	simm.s32 @!p0 $0x1A400;
	s22 =	sadd.s32 @!p0 $0x80, s21  }
0x142: {  	[tilespmem:s23], [sflag:$0x3] =	stream.strided.gather @!p0 [hbm4b:s22+s16], $0x400, s20, s16, $0x38;
	v63 =	vld [tilespmem:$0x0]  }
0x143: {  	s22 =	sadd.s32 @!p0 $0x100, s21;
	s23 =	simm.s32 @!p0 $0x1A800  }
0x144: {  	[tilespmem:s23], [sflag:$0x3] =	stream.strided.gather @!p0 [hbm4b:s22+s16], $0x400, s20, s16, $0x38;
	v63 =	vld [tilespmem:$0x0]  }
0x145: {  	s21 =	sadd.s32 @!p0 $0x180, s21;
	s22 =	simm.s32 @!p0 $0x1AC00  }
0x146: {  	[tilespmem:s22], [sflag:$0x3] =	stream.strided.gather @!p0 [hbm4b:s21+s16], $0x400, s20, s16, $0x38;
	v63 =	vld [tilespmem:$0x0]  }
0x147: {  	s15 =	sadd.s32 @!p0 $0x600000, s15;
	s21 =	simm.s32 @!p0 $0x1B000  }
0x148: {  	[tilespmem:s21], [sflag:$0x3] =	stream.strided.gather @!p0 [hbm4b:s15+s16], $0x180, s20, s16, $0x38;
	v63 =	vld [tilespmem:$0x0]  }
0x149: {  	s22 =	simm.s32 @!p0 $0x1B400;
	s21 =	sadd.s32 @!p0 $0x80, s15  }
0x14a: {  	[tilespmem:s22], [sflag:$0x3] =	stream.strided.gather @!p0 [hbm4b:s21+s16], $0x180, s20, s16, $0x38;
	v63 =	vld [tilespmem:$0x0]  }
0x14b: {  	s21 =	sadd.s32 @!p0 $0x100, s15;
	s22 =	simm.s32 @!p0 $0x1B800  }
0x14c: {  	[tilespmem:s22], [sflag:$0x3] =	stream.strided.gather @!p0 [hbm4b:s21+s16], $0x180, s20, s16, $0x38;
	v63 =	vld [tilespmem:$0x0]  }
0x14d: {  	s15 =	sadd.s32 @!p0 $0x180, s15;
	s21 =	simm.s32 @!p0 $0x1BC00  }
0x14e: {  	[tilespmem:s21], [sflag:$0x3] =	stream.strided.gather @!p0 [hbm4b:s15+s16], $0x180, s20, s16, $0x38;
	v63 =	vld [tilespmem:$0x0]  }
0x14f: {  	_ =	swait.ge [sflag:s12], $0x4000  }
0x150: {  	[sflag:s12] =	ssyncset.done $0x0  }
0x151: {  	[sflag:s12] =	ssyncadd.s32 $0xFFFFC000  }
0x152: {  	s16 =	simm.s32 $0x0;
	_ =	swait.ge [sflag:s13], $0x3600  }
0x153: {  	s21 =	sand.u32 $0x70, s16;
	s22 =	sand.u32 $0xC00, s16;
	[sflag:s13] =	ssyncset.done $0x0  }
0x154: {  	s15 =	sor.u32 s21, s22;
	[sflag:s13] =	ssyncadd.s32 $0xFFFFCA00  }
0x155: {  	v1 =	vld [tilespmem:s15+$0x1C080]  }
0x156: {  	v2 =	vld [tilespmem:s15+$0x1D000]  }
0x157: {  	v3 =	vld [tilespmem:s15+$0x1C280]  }
0x158: {  	s23 =	sand.u32 $0xFFFFFC00, s16;
	v4 =	vld [tilespmem:s15+$0x14280]  }
0x159: {  	s20 =	sadd.s32 $0x0, s23;
	v5 =	vld [tilespmem:s15+$0x1C000]  }
0x15a: {  	s24 =	sor.u32 $0x180, s20;
	v6 =	vld [tilespmem:s15+$0x1C100]  }
0x15b: {  	v7 =	vld [tilespmem:s24+$0x1C000]  }
0x15c: {  	v8 =	vld [tilespmem:s15+$0x14200]  }
0x15d: {  	v9 =	vld [tilespmem:s15+$0x14080]  }
0x15e: {  	v10 =	vld [tilespmem:s15+$0x14100]  }
0x15f: {  	v11 =	vld [tilespmem:s15+$0x14000]  }
0x160: {  	v12 =	vld [tilespmem:s24+$0x14000]  }
0x161: {  	v13 =	vld [tilespmem:s15+$0x15000]  }
0x162: {  	s16 =	sor.u32 s16, s16;
	v14 =	vld [tilespmem:s15+$0x14300]  }
0x163: {  	s22 =	sor.u32 $0x380, s16;
	v15 =	vld [tilespmem:s15+$0x1C200]  }
0x164: {  	v16 =	vld [tilespmem:s22+$0x1C000]  }
0x165: {  	v17 =	vld [tilespmem:s15+$0x1C300]  }
0x166: {  	v18 =	vld [tilespmem:s22+$0x14000]  }
0x167: {  	[tilespmem:v11+s4+$0x0] =	vst.idx.add.f32.msk $0xffff, v5  }
0x168: {  	[tilespmem:v9+s4+$0x0] =	vst.idx.add.f32.msk $0xffff, v1  }
0x169: {  	[tilespmem:v10+s4+$0x0] =	vst.idx.add.f32.msk $0xffff, v6  }
0x16a: {  	[tilespmem:v12+s4+$0x0] =	vst.idx.add.f32.msk $0xffff, v7  }
0x16b: {  	[tilespmem:v8+s4+$0x0] =	vst.idx.add.f32.msk $0xffff, v15  }
0x16c: {  	[tilespmem:v4+s4+$0x0] =	vst.idx.add.f32.msk $0xffff, v3  }
0x16d: {  	[tilespmem:v14+s4+$0x0] =	vst.idx.add.f32.msk $0xffff, v17  }
0x16e: {  	[tilespmem:v18+s4+$0x0] =	vst.idx.add.f32.msk $0xffff, v16  }
0x16f: {  	[tilespmem:v13+s4+$0x0] =	vst.idx.add.f32.msk $0xffff, v2  }
0x170: {  	v1 =	vld [tilespmem:s15+$0x1E080]  }
0x171: {  	s23 =	sor.u32 $0x1180, s20;
	v2 =	vld [tilespmem:s15+$0x15300]  }
0x172: {  	v3 =	vld [tilespmem:s23+$0x1C000]  }
0x173: {  	v4 =	vld [tilespmem:s15+$0x15280]  }
0x174: {  	v5 =	vld [tilespmem:s15+$0x15200]  }
0x175: {  	v6 =	vld [tilespmem:s15+$0x1D200]  }
0x176: {  	v7 =	vld [tilespmem:s15+$0x1D100]  }
0x177: {  	v8 =	vld [tilespmem:s23+$0x14000]  }
0x178: {  	v9 =	vld [tilespmem:s15+$0x1D080]  }
0x179: {  	v10 =	vld [tilespmem:s15+$0x15100]  }
0x17a: {  	v11 =	vld [tilespmem:s15+$0x15080]  }
0x17b: {  	s24 =	sor.u32 $0x1380, s16;
	v12 =	vld [tilespmem:s15+$0x1E000]  }
0x17c: {  	v13 =	vld [tilespmem:s24+$0x14000]  }
0x17d: {  	v14 =	vld [tilespmem:s15+$0x16000]  }
0x17e: {  	v15 =	vld [tilespmem:s15+$0x16080]  }
0x17f: {  	v16 =	vld [tilespmem:s15+$0x1D300]  }
0x180: {  	v17 =	vld [tilespmem:s24+$0x1C000]  }
0x181: {  	v18 =	vld [tilespmem:s15+$0x1D280]  }
0x182: {  	[tilespmem:v11+s4+$0x0] =	vst.idx.add.f32.msk $0xffff, v9  }
0x183: {  	[tilespmem:v10+s4+$0x0] =	vst.idx.add.f32.msk $0xffff, v7  }
0x184: {  	[tilespmem:v8+s4+$0x0] =	vst.idx.add.f32.msk $0xffff, v3  }
0x185: {  	[tilespmem:v5+s4+$0x0] =	vst.idx.add.f32.msk $0xffff, v6  }
0x186: {  	[tilespmem:v4+s4+$0x0] =	vst.idx.add.f32.msk $0xffff, v18  }
0x187: {  	[tilespmem:v2+s4+$0x0] =	vst.idx.add.f32.msk $0xffff, v16  }
0x188: {  	[tilespmem:v13+s4+$0x0] =	vst.idx.add.f32.msk $0xffff, v17  }
0x189: {  	[tilespmem:v14+s4+$0x0] =	vst.idx.add.f32.msk $0xffff, v12  }
0x18a: {  	[tilespmem:v15+s4+$0x0] =	vst.idx.add.f32.msk $0xffff, v1  }
0x18b: {  	s20 =	sor.u32 $0x2180, s20;
	v1 =	vld [tilespmem:s15+$0x1F100]  }
0x18c: {  	s16 =	sor.u32 $0x2380, s16;
	v5 =	vld [tilespmem:s20+$0x1C000]  }
0x18d: {  	v6 =	vld [tilespmem:s16+$0x1C000]  }
0x18e: {  	v7 =	vld [tilespmem:s15+$0x16300]  }
0x18f: {  	v8 =	vld [tilespmem:s15+$0x17000]  }
0x190: {  	v9 =	vld [tilespmem:s15+$0x1E200]  }
0x191: {  	v10 =	vld [tilespmem:s15+$0x1E100]  }
0x192: {  	v11 =	vld [tilespmem:s20+$0x14000]  }
0x193: {  	v12 =	vld [tilespmem:s15+$0x16280]  }
0x194: {  	v13 =	vld [tilespmem:s15+$0x16200]  }
0x195: {  	v14 =	vld [tilespmem:s15+$0x16100]  }
0x196: {  	v15 =	vld [tilespmem:s16+$0x14000]  }
0x197: {  	v16 =	vld [tilespmem:s15+$0x1E280]  }
0x198: {  	v3 =	vld [tilespmem:s15+$0x17080]  }
0x199: {  	v2 =	vld [tilespmem:s15+$0x17100]  }
0x19a: {  	v17 =	vld [tilespmem:s15+$0x1F000]  }
0x19b: {  	v4 =	vld [tilespmem:s15+$0x1F080]  }
0x19c: {  	v18 =	vld [tilespmem:s15+$0x1E300]  }
0x19d: {  	[tilespmem:v14+s4+$0x0] =	vst.idx.add.f32.msk $0xffff, v10  }
0x19e: {  	[tilespmem:v11+s4+$0x0] =	vst.idx.add.f32.msk $0xffff, v5  }
0x19f: {  	[tilespmem:v13+s4+$0x0] =	vst.idx.add.f32.msk $0xffff, v9  }
0x1a0: {  	[tilespmem:v12+s4+$0x0] =	vst.idx.add.f32.msk $0xffff, v16  }
0x1a1: {  	[tilespmem:v7+s4+$0x0] =	vst.idx.add.f32.msk $0xffff, v18  }
0x1a2: {  	[tilespmem:v15+s4+$0x0] =	vst.idx.add.f32.msk $0xffff, v6  }
0x1a3: {  	s15 =	simm.s32 $0x10;
	s20 =	simm.s32 $0x80;
	[tilespmem:v8+s4+$0x0] =	vst.idx.add.f32.msk $0xffff, v17  }
.LBB2_7:
0x1a4: {  	s16 =	sand.u32 $0x70, s15  }
0x1a5: {  	s22 =	sand.u32 $0xC00, s20;
	[tilespmem:v3+s4+$0x0] =	vst.idx.add.f32.msk $0xffff, v4;
	s23 =	smov.u32 s15;
	s21 =	sadd.s32 $0x10, s15  }
0x1a6: {  	p1 =	sne.s32 s15, $0x1F0;
	s22 =	sor.u32 s16, s22;
	[tilespmem:v2+s4+$0x0] =	vst.idx.add.f32.msk $0xffff, v1  }
0x1a7: {  	v1 =	vld [tilespmem:s22+$0x1C080]  }
0x1a8: {  	s16 =	sand.u32 $0xFFFFFC00, s20;
	s15 =	sor.u32 s23, s20;
	v2 =	vld [tilespmem:s22+$0x1D000]  }
0x1a9: {  	s23 =	sadd.s32 s16, s23;
	s16 =	sor.u32 $0x380, s15;
	v3 =	vld [tilespmem:s22+$0x1C280]  }
0x1aa: {  	s24 =	sor.u32 $0x180, s23;
	v4 =	vld [tilespmem:s22+$0x14280]  }
0x1ab: {  	v5 =	vld [tilespmem:s22+$0x1C000]  }
0x1ac: {  	v6 =	vld [tilespmem:s22+$0x1C100]  }
0x1ad: {  	v7 =	vld [tilespmem:s24+$0x1C000]  }
0x1ae: {  	v8 =	vld [tilespmem:s22+$0x14200]  }
0x1af: {  	v9 =	vld [tilespmem:s22+$0x14080]  }
0x1b0: {  	v10 =	vld [tilespmem:s22+$0x14100]  }
0x1b1: {  	v11 =	vld [tilespmem:s22+$0x14000]  }
0x1b2: {  	v12 =	vld [tilespmem:s24+$0x14000]  }
0x1b3: {  	v13 =	vld [tilespmem:s22+$0x15000]  }
0x1b4: {  	v14 =	vld [tilespmem:s22+$0x14300]  }
0x1b5: {  	v15 =	vld [tilespmem:s22+$0x1C200]  }
0x1b6: {  	v16 =	vld [tilespmem:s16+$0x1C000]  }
0x1b7: {  	v17 =	vld [tilespmem:s22+$0x1C300]  }
0x1b8: {  	v18 =	vld [tilespmem:s16+$0x14000]  }
0x1b9: {  	[tilespmem:v11+s4+$0x0] =	vst.idx.add.f32.msk $0xffff, v5  }
0x1ba: {  	[tilespmem:v9+s4+$0x0] =	vst.idx.add.f32.msk $0xffff, v1  }
0x1bb: {  	[tilespmem:v10+s4+$0x0] =	vst.idx.add.f32.msk $0xffff, v6  }
0x1bc: {  	[tilespmem:v12+s4+$0x0] =	vst.idx.add.f32.msk $0xffff, v7  }
0x1bd: {  	[tilespmem:v8+s4+$0x0] =	vst.idx.add.f32.msk $0xffff, v15  }
0x1be: {  	[tilespmem:v4+s4+$0x0] =	vst.idx.add.f32.msk $0xffff, v3  }
0x1bf: {  	[tilespmem:v14+s4+$0x0] =	vst.idx.add.f32.msk $0xffff, v17  }
0x1c0: {  	[tilespmem:v18+s4+$0x0] =	vst.idx.add.f32.msk $0xffff, v16  }
0x1c1: {  	[tilespmem:v13+s4+$0x0] =	vst.idx.add.f32.msk $0xffff, v2  }
0x1c2: {  	v1 =	vld [tilespmem:s22+$0x1E080]  }
0x1c3: {  	s16 =	sor.u32 $0x1180, s23;
	v2 =	vld [tilespmem:s22+$0x15300]  }
0x1c4: {  	v3 =	vld [tilespmem:s16+$0x1C000]  }
0x1c5: {  	v4 =	vld [tilespmem:s22+$0x15280]  }
0x1c6: {  	v5 =	vld [tilespmem:s22+$0x15200]  }
0x1c7: {  	v6 =	vld [tilespmem:s22+$0x1D200]  }
0x1c8: {  	v7 =	vld [tilespmem:s22+$0x1D100]  }
0x1c9: {  	v8 =	vld [tilespmem:s16+$0x14000]  }
0x1ca: {  	v9 =	vld [tilespmem:s22+$0x1D080]  }
0x1cb: {  	v10 =	vld [tilespmem:s22+$0x15100]  }
0x1cc: {  	v11 =	vld [tilespmem:s22+$0x15080]  }
0x1cd: {  	s16 =	sor.u32 $0x1380, s15;
	v12 =	vld [tilespmem:s22+$0x1E000]  }
0x1ce: {  	v13 =	vld [tilespmem:s16+$0x14000]  }
0x1cf: {  	v14 =	vld [tilespmem:s22+$0x16000]  }
0x1d0: {  	v15 =	vld [tilespmem:s22+$0x16080]  }
0x1d1: {  	v16 =	vld [tilespmem:s22+$0x1D300]  }
0x1d2: {  	v17 =	vld [tilespmem:s16+$0x1C000]  }
0x1d3: {  	v18 =	vld [tilespmem:s22+$0x1D280]  }
0x1d4: {  	[tilespmem:v11+s4+$0x0] =	vst.idx.add.f32.msk $0xffff, v9  }
0x1d5: {  	[tilespmem:v10+s4+$0x0] =	vst.idx.add.f32.msk $0xffff, v7  }
0x1d6: {  	[tilespmem:v8+s4+$0x0] =	vst.idx.add.f32.msk $0xffff, v3  }
0x1d7: {  	[tilespmem:v5+s4+$0x0] =	vst.idx.add.f32.msk $0xffff, v6  }
0x1d8: {  	[tilespmem:v4+s4+$0x0] =	vst.idx.add.f32.msk $0xffff, v18  }
0x1d9: {  	[tilespmem:v2+s4+$0x0] =	vst.idx.add.f32.msk $0xffff, v16  }
0x1da: {  	[tilespmem:v13+s4+$0x0] =	vst.idx.add.f32.msk $0xffff, v17  }
0x1db: {  	[tilespmem:v14+s4+$0x0] =	vst.idx.add.f32.msk $0xffff, v12  }
0x1dc: {  	[tilespmem:v15+s4+$0x0] =	vst.idx.add.f32.msk $0xffff, v1  }
0x1dd: {  	s16 =	sor.u32 $0x2180, s23;
	v1 =	vld [tilespmem:s22+$0x1F100]  }
0x1de: {  	s15 =	sor.u32 $0x2380, s15;
	v5 =	vld [tilespmem:s16+$0x1C000]  }
0x1df: {  	v6 =	vld [tilespmem:s15+$0x1C000]  }
0x1e0: {  	v7 =	vld [tilespmem:s22+$0x16300]  }
0x1e1: {  	v8 =	vld [tilespmem:s22+$0x17000]  }
0x1e2: {  	v9 =	vld [tilespmem:s22+$0x1E200]  }
0x1e3: {  	v10 =	vld [tilespmem:s22+$0x1E100]  }
0x1e4: {  	v11 =	vld [tilespmem:s16+$0x14000]  }
0x1e5: {  	v12 =	vld [tilespmem:s22+$0x16280]  }
0x1e6: {  	v13 =	vld [tilespmem:s22+$0x16200]  }
0x1e7: {  	v14 =	vld [tilespmem:s22+$0x16100]  }
0x1e8: {  	v15 =	vld [tilespmem:s15+$0x14000]  }
0x1e9: {  	v16 =	vld [tilespmem:s22+$0x1E280]  }
0x1ea: {  	v3 =	vld [tilespmem:s22+$0x17080]  }
0x1eb: {  	v2 =	vld [tilespmem:s22+$0x17100]  }
0x1ec: {  	v17 =	vld [tilespmem:s22+$0x1F000]  }
0x1ed: {  	v4 =	vld [tilespmem:s22+$0x1F080]  }
0x1ee: {  	v18 =	vld [tilespmem:s22+$0x1E300]  }
0x1ef: {  	[tilespmem:v14+s4+$0x0] =	vst.idx.add.f32.msk $0xffff, v10  }
0x1f0: {  	[tilespmem:v11+s4+$0x0] =	vst.idx.add.f32.msk $0xffff, v5  }
.Ltmp4:
0x1f1: {  	[tilespmem:v13+s4+$0x0] =	vst.idx.add.f32.msk $0xffff, v9;
	(pc) =	sbr.rel @p1 .LBB2_7-.Ltmp4, $4  }
0x1f2: {  	[tilespmem:v12+s4+$0x0] =	vst.idx.add.f32.msk $0xffff, v16  }
0x1f3: {  	[tilespmem:v7+s4+$0x0] =	vst.idx.add.f32.msk $0xffff, v18  }
0x1f4: {  	[tilespmem:v15+s4+$0x0] =	vst.idx.add.f32.msk $0xffff, v6  }
0x1f5: {  	s20 =	sadd.s32 $0x80, s20;
	s15 =	smov.u32 s21;
	[tilespmem:v8+s4+$0x0] =	vst.idx.add.f32.msk $0xffff, v17  }
0x1f6: {  	_ = 	snop  }
.Ltmp5:
0x1f7: {  	_ = 	snop;
	(pc) =	sbr.rel @p0 .LBB2_10-.Ltmp5, $3  }
0x1f8: {  	_ =	sdelay $0x1  }
0x1f9: {  	[tilespmem:v3+s4+$0x0] =	vst.idx.add.f32.msk $0xffff, v4  }
0x1fa: {  	[tilespmem:v2+s4+$0x0] =	vst.idx.add.f32.msk $0xffff, v1  }
0x1fb: {  	s15 =	sadd.s32 $0x3000, s19  }
0x1fc: {  	s16 =	sshrl.u32 s15, $0x3;
	s15 =	sadd.s32 s5, s15  }
0x1fd: {  	s24 =	simm.s32 $0x14000;
	s16 =	sadd.s32 s2, s16;
	s15 =	sshrl.u32 s15, $0x3  }
0x1fe: {  	[tilespmem:s24], [sflag:$0x2] =	stream.strided.gather [hbm4b:s16+s25], $0x4000, s26, s25, $0x38;
	v63 =	vld [tilespmem:$0x0]  }
0x1ff: {  	s20 =	simm.s32 $0x1C000;
	s15 =	sadd.s32 s1, s15  }
0x200: {  	[tilespmem:s20], [sflag:$0x4] =	stream.strided.gather [hbm4b:s15+s17], $0x400, s18, s17, $0x38;
	v63 =	vld [tilespmem:$0x0]  }
0x201: {  	s22 =	simm.s32 $0x1C400;
	s21 =	sadd.s32 $0x80, s15  }
0x202: {  	[tilespmem:s22], [sflag:$0x4] =	stream.strided.gather [hbm4b:s21+s17], $0x400, s18, s17, $0x38;
	v63 =	vld [tilespmem:$0x0]  }
0x203: {  	s24 =	simm.s32 $0x1C800;
	s23 =	sadd.s32 $0x100, s15  }
0x204: {  	[tilespmem:s24], [sflag:$0x4] =	stream.strided.gather [hbm4b:s23+s17], $0x400, s18, s17, $0x38;
	v63 =	vld [tilespmem:$0x0]  }
0x205: {  	s19 =	sadd.s32 $0x180, s15;
	s20 =	simm.s32 $0x1CC00  }
0x206: {  	[tilespmem:s20], [sflag:$0x4] =	stream.strided.gather [hbm4b:s19+s17], $0x400, s18, s17, $0x38;
	v63 =	vld [tilespmem:$0x0]  }
0x207: {  	s16 =	sadd.s32 $0x200000, s15;
	s21 =	simm.s32 $0x1D000  }
0x208: {  	[tilespmem:s21], [sflag:$0x4] =	stream.strided.gather [hbm4b:s16+s17], $0x400, s18, s17, $0x38;
	v63 =	vld [tilespmem:$0x0]  }
0x209: {  	s22 =	sadd.s32 $0x80, s16;
	s20 =	simm.s32 $0x1D400  }
0x20a: {  	[tilespmem:s20], [sflag:$0x4] =	stream.strided.gather [hbm4b:s22+s17], $0x400, s18, s17, $0x38;
	v63 =	vld [tilespmem:$0x0]  }
0x20b: {  	s23 =	sadd.s32 $0x100, s16;
	s24 =	simm.s32 $0x1D800  }
0x20c: {  	[tilespmem:s24], [sflag:$0x4] =	stream.strided.gather [hbm4b:s23+s17], $0x400, s18, s17, $0x38;
	v63 =	vld [tilespmem:$0x0]  }
0x20d: {  	s16 =	sadd.s32 $0x180, s16  }
0x20e: {  	[tilespmem:s28], [sflag:$0x4] =	stream.strided.gather [hbm4b:s16+s17], $0x400, s18, s17, $0x38;
	v63 =	vld [tilespmem:$0x0]  }
0x20f: {  	s20 =	sadd.s32 $0x400000, s15  }
0x210: {  	[tilespmem:s29], [sflag:$0x4] =	stream.strided.gather [hbm4b:s20+s17], $0x400, s18, s17, $0x38;
	v63 =	vld [tilespmem:$0x0]  }
0x211: {  	s21 =	sadd.s32 $0x80, s20  }
0x212: {  	[tilespmem:s30], [sflag:$0x4] =	stream.strided.gather [hbm4b:s21+s17], $0x400, s18, s17, $0x38;
	v63 =	vld [tilespmem:$0x0]  }
0x213: {  	s22 =	sadd.s32 $0x100, s20  }
0x214: {  	[tilespmem:s31], [sflag:$0x4] =	stream.strided.gather [hbm4b:s22+s17], $0x400, s18, s17, $0x38;
	v63 =	vld [tilespmem:$0x0]  }
0x215: {  	s16 =	sadd.s32 $0x180, s20  }
0x216: {  	[tilespmem:s3], [sflag:$0x4] =	stream.strided.gather [hbm4b:s16+s17], $0x400, s18, s17, $0x38;
	v63 =	vld [tilespmem:$0x0]  }
0x217: {  	s15 =	sadd.s32 $0x600000, s15  }
0x218: {  	[tilespmem:s0], [sflag:$0x4] =	stream.strided.gather [hbm4b:s15+s17], $0x180, s18, s17, $0x38;
	v63 =	vld [tilespmem:$0x0]  }
0x219: {  	s23 =	sadd.s32 $0x80, s15  }
0x21a: {  	[tilespmem:s7], [sflag:$0x4] =	stream.strided.gather [hbm4b:s23+s17], $0x180, s18, s17, $0x38;
	v63 =	vld [tilespmem:$0x0]  }
.Ltmp6:
0x21b: {  	_ = 	snop;
	(pc) =	sbr.rel .LBB2_4-.Ltmp6, $4  }
0x21c: {  	s24 =	sadd.s32 $0x100, s15  }
0x21d: {  	[tilespmem:s8], [sflag:$0x4] =	stream.strided.gather [hbm4b:s24+s17], $0x180, s18, s17, $0x38;
	v63 =	vld [tilespmem:$0x0]  }
0x21e: {  	s14 =	sadd.s32 $0x1, s14;
	s15 =	sadd.s32 $0x180, s15  }
0x21f: {  	[tilespmem:s9], [sflag:$0x4] =	stream.strided.gather [hbm4b:s15+s17], $0x180, s18, s17, $0x38;
	v63 =	vld [tilespmem:$0x0]  }
.LBB2_11:
0x220: {  	_ =	sfence.sel $0x180000  }
0x221: {  	[bflag:$0x0] =	sbarrier.arrive $0xFFFF  }
0x222: {  	_ =	strace $0x90000047  }
0x223: {  	s0 =	stileid.u32;
	[bflag:$0x2] =	sbarrier.arrive $0xFFFF  }
0x224: {  	p0 =	sne.s32 s0, $0x0;
	s0 =	rddreg [dreg:$0x3]  }
0x225: {  	s0 =	sadd.s32 @!p0 $0x100000, s0  }
0x226: {  	[sflag:s0] =	ssyncadd.tile.s32 @!p0 $0x1;
	_ =	shalt  }
.Lfunc_end2:
_tile_overlayer_lowered:
.L_overlay_start_2:
0x227: {  	(tag) =	ssettag $0x2  }
0x228: {  	s0 =	rddreg [dreg:$0x0];
	s2 =	stileid.u32  }
0x229: {  	s1 =	rddreg [dreg:$0x1];
	p0 =	sne.s32 s2, $0x0  }
0x22a: {  	s3 =	rddreg [dreg:$0x2];
	[bflag:$0x3] =	sbarrier.arrive $0xFFFF;
	s2 =	simm.s32 @!p0 $0x1C05  }
0x22b: {  	[timem:s3], [sflag:s2] =	dma.local @!p0 [hbm:s0], s1  }
0x22c: {  	s0 =	simm.s32 @!p0 $0x5  }
0x22d: {  	_ =	swait.ge @!p0 [sflag:s0], s1  }
0x22e: {  	s1 =	ssub.s32 @!p0 $0x0, s1;
	[sflag:s0] =	ssyncset.done @!p0 $0x0  }
0x22f: {  	[sflag:s0] =	ssyncadd.s32 @!p0 s1  }
0x230: {  	[bflag:$0x3] =	sbarrier.arrive $0xFFFF  }
0x231: {  	_ =	shalt  }

</sc_bundles>
